<compile_context>
chip_gen: v7x
topology: tpu7x:2x2x1
jax: 0.10.2.dev20260603
libtpu: 0.0.44.dev20260713+nightly
codegen_flags: <defaults>
</compile_context>

<pallas_src>
import functools
import math

import jax
import jax.numpy as jnp
from jax import lax
from jax.experimental import pallas as pl


def _dotT(a, b):
    return lax.dot_general(a, b, (((1,), (1,)), ((), ())),
                           preferred_element_type=jnp.float32)


def _dot(a, b):
    return jnp.dot(a, b, preferred_element_type=jnp.float32)


def _seg_body(SEG_SIZE, EPS, HEADS,
              nf_ref, df_ref, nn_ref, nd_ref, pos_ref, ds_ref,
              fwWq_ref, fwWk_ref, fwWkp_ref, fwWv_ref, fwWvp_ref, fwWo_ref,
              fm0_ref, fm1_ref, fm2_ref,
              rvWq_ref, rvWk_ref, rvWkp_ref, rvWv_ref, rvWvp_ref, rvWo_ref,
              rm0_ref, rm1_ref, rm2_ref,
              nout_ref, dout_ref):
    s = pl.program_id(0)

    nf = nf_ref[:]
    df = df_ref[:]
    pos = pos_ref[:]
    ds = ds_ref[:]
    HS = HEADS * SEG_SIZE

    a_loc = ds[:, 0:1] - s * SEG_SIZE
    b_loc = ds[:, 1:2] - s * SEG_SIZE
    iota = lax.broadcasted_iota(jnp.int32, (EPS, SEG_SIZE), 1)
    Ma = (iota == a_loc).astype(jnp.float32)
    Mb = (iota == b_loc).astype(jnp.float32)
    iota_t = lax.broadcasted_iota(jnp.int32, (EPS, HS), 1)
    loc_t = jnp.bitwise_and(iota_t, SEG_SIZE - 1)
    Ma_t = (loc_t == a_loc).astype(jnp.float32)
    Md_t = Ma_t - (loc_t == b_loc).astype(jnp.float32)
    bi = lax.broadcasted_iota(jnp.int32, (HS, HEADS), 0)
    bh = lax.broadcasted_iota(jnp.int32, (HS, HEADS), 1)
    Bsum = (lax.shift_right_logical(bi, 5) == bh).astype(jnp.float32)

    k_fw = _dot(nf, fwWk_ref[:]) + pos * fwWkp_ref[:]
    v_fw = _dot(nf, fwWv_ref[:]) + pos * fwWvp_ref[:]
    dfn = df + 0.1 * nd_ref[:]

    A_fw = fwWq_ref.shape[1] // HEADS
    inv_sqrt_a = jnp.float32(1.0 / math.sqrt(A_fw))
    K2 = jnp.concatenate(
        [_dotT(fwWq_ref[:, h * A_fw:(h + 1) * A_fw],
               k_fw[:, h * A_fw:(h + 1) * A_fw]) for h in range(HEADS)],
        axis=1)
    L = _dot(dfn, K2) * inv_sqrt_a
    dl = _dot(Md_t * L, Bsum)
    wa = 1.0 / (1.0 + jnp.exp(-dl))
    wa_t = _dotT(wa, Bsum)
    P = Md_t * wa_t + (Ma_t - Md_t)
    vo = jnp.concatenate(
        [_dot(v_fw[:, h * A_fw:(h + 1) * A_fw],
              fwWo_ref[h * A_fw:(h + 1) * A_fw, :]) for h in range(HEADS)],
        axis=0)
    d1 = dfn + _dot(P, vo)
    h0 = jnp.maximum(_dot(d1, fm0_ref[:]), 0.0)
    h1 = jnp.maximum(_dot(h0, fm1_ref[:]), 0.0)
    dout_ref[:] = d1 + _dot(h1, fm2_ref[:])

    dp0 = _dot(Mb, pos) * jnp.float32(1.0 / 64.0)
    dp1 = _dot(Ma, pos) * jnp.float32(1.0 / 64.0)
    k_rv = (_dot(df, rvWk_ref[:])
            + dp0 * rvWkp_ref[0:1, :] + dp1 * rvWkp_ref[1:2, :])
    v_rv = (_dot(df, rvWv_ref[:])
            + dp0 * rvWvp_ref[0:1, :] + dp1 * rvWvp_ref[1:2, :])
    nfn = nf + 0.1 * nn_ref[:]
    q_rv = _dot(nfn, rvWq_ref[:])

    A_rv = rvWq_ref.shape[1] // HEADS
    inv_sqrt_rv = jnp.float32(1.0 / math.sqrt(A_rv))
    Lr = jnp.concatenate(
        [_dotT(q_rv[:, h * A_rv:(h + 1) * A_rv],
               k_rv[:, h * A_rv:(h + 1) * A_rv]) for h in range(HEADS)],
        axis=0) * inv_sqrt_rv
    valid_rv = jnp.transpose(Ma + Mb)
    valid_t = jnp.concatenate([valid_rv] * HEADS, axis=0)
    masked = Lr + (valid_t - 1.0) * jnp.float32(1e30)
    m = jnp.max(masked, axis=-1, keepdims=True)
    e = jnp.exp(masked - m) * valid_t
    Pr = e / jnp.sum(e, axis=-1, keepdims=True)
    n_attn = jnp.concatenate(
        [_dot(Pr[h * SEG_SIZE:(h + 1) * SEG_SIZE, :],
              v_rv[:, h * A_rv:(h + 1) * A_rv]) for h in range(HEADS)],
        axis=1)
    n1 = nfn + _dot(n_attn, rvWo_ref[:])
    g0 = jnp.maximum(_dot(n1, rm0_ref[:]), 0.0)
    g1 = jnp.maximum(_dot(g0, rm1_ref[:]), 0.0)
    nout_ref[:] = n1 + _dot(g1, rm2_ref[:])


def kernel(node_features, distance_features, node_structure,
           distance_structure, subgraph_indices, noise_node, noise_dist,
           fw_Wq, fw_Wk, fw_Wv, fw_Wo, fw_m0, fw_m1, fw_m2,
           rv_Wq, rv_Wk, rv_Wv, rv_Wo, rv_m0, rv_m1, rv_m2):
    N, SIZE = node_features.shape
    E, DSIZE = distance_features.shape
    SEG_SIZE = node_structure.shape[1] + 1
    SEG = N // SEG_SIZE
    EPS = E // SEG
    HEADS = 8

    counts = jnp.bincount(subgraph_indices, length=N)
    shift = jnp.concatenate([jnp.zeros((1,), counts.dtype),
                             jnp.cumsum(counts)[:-1]])
    starts = jnp.repeat(shift, counts, total_repeat_length=N)
    node_pos = (jnp.arange(N) - starts).astype(jnp.float32) / 64.0
    pos_col = node_pos[:, None]

    ds32 = distance_structure.astype(jnp.int32)

    f32 = jnp.float32
    out_shape = (jax.ShapeDtypeStruct((N, SIZE), f32),
                 jax.ShapeDtypeStruct((E, DSIZE), f32))

    seg_map = lambda s: (s, 0)
    fix_map = lambda s: (0, 0)

    def w_spec(w):
        return pl.BlockSpec(w.shape, fix_map)

    grid_specs = dict(
        grid=(SEG,),
        in_specs=[
            pl.BlockSpec((SEG_SIZE, SIZE), seg_map),
            pl.BlockSpec((EPS, DSIZE), seg_map),
            pl.BlockSpec((SEG_SIZE, SIZE), seg_map),
            pl.BlockSpec((EPS, DSIZE), seg_map),
            pl.BlockSpec((SEG_SIZE, 1), seg_map),
            pl.BlockSpec((EPS, 2), seg_map),
            w_spec(fw_Wq),
            pl.BlockSpec((SIZE, fw_Wk.shape[1]), fix_map),
            pl.BlockSpec((1, fw_Wk.shape[1]), fix_map),
            pl.BlockSpec((SIZE, fw_Wv.shape[1]), fix_map),
            pl.BlockSpec((1, fw_Wv.shape[1]), fix_map),
            w_spec(fw_Wo), w_spec(fw_m0), w_spec(fw_m1), w_spec(fw_m2),
            w_spec(rv_Wq),
            pl.BlockSpec((DSIZE, rv_Wk.shape[1]), fix_map),
            pl.BlockSpec((2, rv_Wk.shape[1]), fix_map),
            pl.BlockSpec((DSIZE, rv_Wv.shape[1]), fix_map),
            pl.BlockSpec((2, rv_Wv.shape[1]), fix_map),
            w_spec(rv_Wo), w_spec(rv_m0), w_spec(rv_m1), w_spec(rv_m2),
        ],
        out_specs=[
            pl.BlockSpec((SEG_SIZE, SIZE), seg_map),
            pl.BlockSpec((EPS, DSIZE), seg_map),
        ],
    )

    body = functools.partial(_seg_body, SEG_SIZE, EPS, HEADS)
    n_out, d_out = pl.pallas_call(
        body,
        out_shape=out_shape,
        **grid_specs,
    )(node_features, distance_features, noise_node, noise_dist,
      pos_col, ds32,
      fw_Wq, fw_Wk[:SIZE], fw_Wk[SIZE:], fw_Wv[:SIZE], fw_Wv[SIZE:],
      fw_Wo, fw_m0, fw_m1, fw_m2,
      rv_Wq, rv_Wk[:DSIZE], rv_Wk[DSIZE:], rv_Wv[:DSIZE], rv_Wv[DSIZE:],
      rv_Wo, rv_m0, rv_m1, rv_m2)
    return (n_out, d_out)

# --- scband reference (transcript-rebuilt; emitter-appended) ---
"""Pipeline reference for scband-distance-transformer-encoder-block-12558484373713 (READ-ONLY COPY).

The authoritative reference and input builder live on the scoring server;
editing this copy changes nothing except your own understanding.
"""

import jax, jax.numpy as jnp
import numpy as np

SEG = 64
SEG_SIZE = 32
N = SEG * SEG_SIZE
SIZE = 128
DSIZE = 64

def _build_structures():
    pair_list = []
    for s in range(SEG):
        base = s * SEG_SIZE
        for i in range(SEG_SIZE):
            for j in range(i + 1, SEG_SIZE):
                pair_list.append((base + i, base + j))
    pairs = np.asarray(pair_list, dtype=np.int64)
    incident = [[] for _ in range(N)]
    for e, (a, b) in enumerate(pair_list):
        incident[a].append(e)
        incident[b].append(e)
    node_structure = np.asarray(incident, dtype=np.int64)
    return pairs, node_structure


def setup_inputs(seed: int = 0):
    key = jax.random.key(seed)
    ks = jax.random.split(key, 24)
    pairs, node_structure = _build_structures()
    E = pairs.shape[0]
    def w(k, shape):
        return jax.random.normal(k, shape, jnp.float32) / np.sqrt(shape[0]).astype(np.float32)
    inp = {}
    inp["node_features"] = jax.random.normal(ks[0], (N, SIZE), jnp.float32)
    inp["distance_features"] = jax.random.normal(ks[1], (E, DSIZE), jnp.float32)
    inp["node_structure"] = jnp.asarray(node_structure)
    inp["distance_structure"] = jnp.asarray(pairs)
    inp["subgraph_indices"] = jnp.asarray(np.repeat(np.arange(SEG), SEG_SIZE).astype(np.int64))
    inp["noise_node"] = jax.random.normal(ks[2], (N, SIZE), jnp.float32)
    inp["noise_dist"] = jax.random.normal(ks[3], (E, DSIZE), jnp.float32)
    inp["fw_Wq"] = w(ks[4], (DSIZE, 8 * 128))
    inp["fw_Wk"] = w(ks[5], (SIZE + 1, 8 * 128))
    inp["fw_Wv"] = w(ks[6], (SIZE + 1, 8 * 128))
    inp["fw_Wo"] = w(ks[7], (8 * 128, DSIZE))
    inp["fw_m0"] = w(ks[8], (DSIZE, 128))
    inp["fw_m1"] = w(ks[9], (128, 128))
    inp["fw_m2"] = w(ks[10], (128, DSIZE))
    inp["rv_Wq"] = w(ks[11], (SIZE, 8 * 64))
    inp["rv_Wk"] = w(ks[12], (DSIZE + 2, 8 * 64))
    inp["rv_Wv"] = w(ks[13], (DSIZE + 2, 8 * 64))
    inp["rv_Wo"] = w(ks[14], (8 * 64, SIZE))
    inp["rv_m0"] = w(ks[15], (SIZE, 128))
    inp["rv_m1"] = w(ks[16], (128, 128))
    inp["rv_m2"] = w(ks[17], (128, SIZE))
    return inp


def _irange(indices):
    nseg = indices.shape[0]
    counts = jnp.bincount(indices, length=nseg)
    shift = jnp.concatenate([jnp.zeros((1,), counts.dtype), jnp.cumsum(counts)[:-1]])
    starts = jnp.repeat(shift, counts, total_repeat_length=indices.shape[0])
    return jnp.arange(indices.shape[0]) - starts


def _nbr_attn(q_in, data, structure, Wq, Wk, Wv, Wo, heads):
    Q = q_in.shape[0]
    HA = Wq.shape[1]
    A = HA // heads
    q = (q_in @ Wq).reshape(Q, heads, A)
    k = (data @ Wk).reshape(data.shape[0], heads, A)
    v = (data @ Wv).reshape(data.shape[0], heads, A)
    kn = k[structure]
    vn = v[structure]
    logits = jnp.einsum('qha,qkha->qhk', q, kn) / (A ** 0.5)
    attn = jax.nn.softmax(logits, axis=-1)
    out = jnp.einsum('qhk,qkha->qha', attn, vn).reshape(Q, HA)
    return out @ Wo


def _mlp(x, w0, w1, w2):
    h = jax.nn.relu(x @ w0)
    h = jax.nn.relu(h @ w1)
    return h @ w2


def reference(node_features, distance_features, node_structure, distance_structure, subgraph_indices, noise_node, noise_dist, fw_Wq, fw_Wk, fw_Wv, fw_Wo, fw_m0, fw_m1, fw_m2, rv_Wq, rv_Wk, rv_Wv, rv_Wo, rv_m0, rv_m1, rv_m2):
    node_pos = _irange(subgraph_indices).astype(jnp.float32) / 64.0
    node_pos_features = jnp.concatenate([node_features, node_pos[:, None]], axis=1)
    dist_pos_0 = node_pos[distance_structure[:, 1]] / 64.0
    dist_pos_1 = node_pos[distance_structure[:, 0]] / 64.0
    dist_pos_features = jnp.concatenate([distance_features, dist_pos_0[:, None], dist_pos_1[:, None]], axis=1)
    dfn = distance_features + 0.1 * noise_dist
    d_out = dfn + _nbr_attn(dfn, node_pos_features, distance_structure, fw_Wq, fw_Wk, fw_Wv, fw_Wo, 8)
    d_out = d_out + _mlp(d_out, fw_m0, fw_m1, fw_m2)
    nfn = node_features + 0.1 * noise_node
    n_out = nfn + _nbr_attn(nfn, dist_pos_features, node_structure, rv_Wq, rv_Wk, rv_Wv, rv_Wo, 8)
    n_out = n_out + _mlp(n_out, rv_m0, rv_m1, rv_m2)
    return (n_out, d_out)

if __name__ == "__main__":
    import jax
    _d = setup_inputs()
    print(jax.jit(kernel)(*tuple(_d.values())))

</pallas_src>

<mosaic_0001>
module attributes {stable_mosaic.version = 14 : i64} {
  func.func @_seg_body(%arg0: i32, %arg1: memref<32x128xf32, #tpu.memory_space<vmem>>, %arg2: memref<496x64xf32, #tpu.memory_space<vmem>>, %arg3: memref<32x128xf32, #tpu.memory_space<vmem>>, %arg4: memref<496x64xf32, #tpu.memory_space<vmem>>, %arg5: memref<32x1xf32, #tpu.memory_space<vmem>>, %arg6: memref<496x2xi32, #tpu.memory_space<vmem>>, %arg7: memref<64x1024xf32, #tpu.memory_space<vmem>>, %arg8: memref<128x1024xf32, #tpu.memory_space<vmem>>, %arg9: memref<1x1024xf32, #tpu.memory_space<vmem>>, %arg10: memref<128x1024xf32, #tpu.memory_space<vmem>>, %arg11: memref<1x1024xf32, #tpu.memory_space<vmem>>, %arg12: memref<1024x64xf32, #tpu.memory_space<vmem>>, %arg13: memref<64x128xf32, #tpu.memory_space<vmem>>, %arg14: memref<128x128xf32, #tpu.memory_space<vmem>>, %arg15: memref<128x64xf32, #tpu.memory_space<vmem>>, %arg16: memref<128x512xf32, #tpu.memory_space<vmem>>, %arg17: memref<64x512xf32, #tpu.memory_space<vmem>>, %arg18: memref<2x512xf32, #tpu.memory_space<vmem>>, %arg19: memref<64x512xf32, #tpu.memory_space<vmem>>, %arg20: memref<2x512xf32, #tpu.memory_space<vmem>>, %arg21: memref<512x128xf32, #tpu.memory_space<vmem>>, %arg22: memref<128x128xf32, #tpu.memory_space<vmem>>, %arg23: memref<128x128xf32, #tpu.memory_space<vmem>>, %arg24: memref<128x128xf32, #tpu.memory_space<vmem>>, %arg25: memref<32x128xf32, #tpu.memory_space<vmem>>, %arg26: memref<496x64xf32, #tpu.memory_space<vmem>>) attributes {dimension_semantics = [#tpu.dimension_semantics<arbitrary>], iteration_bounds = array<i64: 64>, scalar_prefetch = 0 : i64, scratch_operands = 0 : i64, tpu.core_type = #tpu.core_type<tc>, window_params = [{transform_indices = @transform_0, window_bounds = array<i64: 32, 128>}, {transform_indices = @transform_1, window_bounds = array<i64: 496, 64>}, {transform_indices = @transform_2, window_bounds = array<i64: 32, 128>}, {transform_indices = @transform_3, window_bounds = array<i64: 496, 64>}, {transform_indices = @transform_4, window_bounds = array<i64: 32, 1>}, {transform_indices = @transform_5, window_bounds = array<i64: 496, 2>}, {pipeline_mode = #tpu.pipeline_mode<synchronous>, transform_indices = @transform_6, window_bounds = array<i64: 64, 1024>}, {pipeline_mode = #tpu.pipeline_mode<synchronous>, transform_indices = @transform_7, window_bounds = array<i64: 128, 1024>}, {pipeline_mode = #tpu.pipeline_mode<synchronous>, transform_indices = @transform_8, window_bounds = array<i64: 1, 1024>}, {pipeline_mode = #tpu.pipeline_mode<synchronous>, transform_indices = @transform_9, window_bounds = array<i64: 128, 1024>}, {pipeline_mode = #tpu.pipeline_mode<synchronous>, transform_indices = @transform_10, window_bounds = array<i64: 1, 1024>}, {pipeline_mode = #tpu.pipeline_mode<synchronous>, transform_indices = @transform_11, window_bounds = array<i64: 1024, 64>}, {pipeline_mode = #tpu.pipeline_mode<synchronous>, transform_indices = @transform_12, window_bounds = array<i64: 64, 128>}, {pipeline_mode = #tpu.pipeline_mode<synchronous>, transform_indices = @transform_13, window_bounds = array<i64: 128, 128>}, {pipeline_mode = #tpu.pipeline_mode<synchronous>, transform_indices = @transform_14, window_bounds = array<i64: 128, 64>}, {pipeline_mode = #tpu.pipeline_mode<synchronous>, transform_indices = @transform_15, window_bounds = array<i64: 128, 512>}, {pipeline_mode = #tpu.pipeline_mode<synchronous>, transform_indices = @transform_16, window_bounds = array<i64: 64, 512>}, {pipeline_mode = #tpu.pipeline_mode<synchronous>, transform_indices = @transform_17, window_bounds = array<i64: 2, 512>}, {pipeline_mode = #tpu.pipeline_mode<synchronous>, transform_indices = @transform_18, window_bounds = array<i64: 64, 512>}, {pipeline_mode = #tpu.pipeline_mode<synchronous>, transform_indices = @transform_19, window_bounds = array<i64: 2, 512>}, {pipeline_mode = #tpu.pipeline_mode<synchronous>, transform_indices = @transform_20, window_bounds = array<i64: 512, 128>}, {pipeline_mode = #tpu.pipeline_mode<synchronous>, transform_indices = @transform_21, window_bounds = array<i64: 128, 128>}, {pipeline_mode = #tpu.pipeline_mode<synchronous>, transform_indices = @transform_22, window_bounds = array<i64: 128, 128>}, {pipeline_mode = #tpu.pipeline_mode<synchronous>, transform_indices = @transform_23, window_bounds = array<i64: 128, 128>}, {transform_indices = @transform_24, window_bounds = array<i64: 32, 128>}, {transform_indices = @transform_25, window_bounds = array<i64: 496, 64>}]} {
    %get3A = arith.constant 0 : index
    %get3A_0 = arith.constant 0 : index
    %get3A_1 = vector.load %arg1[%get3A, %get3A_0] : memref<32x128xf32, #tpu.memory_space<vmem>>, vector<32x128xf32>
    %get3A_2 = arith.constant 0 : index
    %get3A_3 = arith.constant 0 : index
    %get3A_4 = vector.load %arg2[%get3A_2, %get3A_3] : memref<496x64xf32, #tpu.memory_space<vmem>>, vector<496x64xf32>
    %get3A_5 = arith.constant 0 : index
    %get3A_6 = arith.constant 0 : index
    %get3A_7 = vector.load %arg5[%get3A_5, %get3A_6] : memref<32x1xf32, #tpu.memory_space<vmem>>, vector<32x1xf32>
    %get3A_8 = arith.constant 0 : index
    %get3A_9 = arith.constant 0 : index
    %get3A_10 = vector.load %arg6[%get3A_8, %get3A_9] : memref<496x2xi32, #tpu.memory_space<vmem>>, vector<496x2xi32>
    %slice3A = vector.extract_strided_slice %get3A_10 {offsets = [0, 0], sizes = [496, 1], strides = [1, 1]} : vector<496x2xi32> to vector<496x1xi32>
    %mul3A = arith.constant 32 : i32
    %mul3A_11 = arith.muli %arg0, %mul3A : i32
    %sub3A = vector.broadcast %mul3A_11 : i32 to vector<496x1xi32>
    %sub3A_12 = arith.subi %slice3A, %sub3A : vector<496x1xi32>
    %slice3A_13 = vector.extract_strided_slice %get3A_10 {offsets = [0, 1], sizes = [496, 1], strides = [1, 1]} : vector<496x2xi32> to vector<496x1xi32>
    %mul3A_14 = arith.constant 32 : i32
    %mul3A_15 = arith.muli %arg0, %mul3A_14 : i32
    %sub3A_16 = vector.broadcast %mul3A_15 : i32 to vector<496x1xi32>
    %sub3A_17 = arith.subi %slice3A_13, %sub3A_16 : vector<496x1xi32>
    %iota3A = tpu.iota {dimensions = array<i32: 1>} : vector<496x32xi32>
    %eq3A = vector.broadcast %sub3A_12 : vector<496x1xi32> to vector<496x32xi32>
    %eq3A_18 = arith.cmpi eq, %iota3A, %eq3A : vector<496x32xi32>
    %convert_element_type3A = arith.extui %eq3A_18 : vector<496x32xi1> to vector<496x32xi32>
    %convert_element_type3A_19 = arith.sitofp %convert_element_type3A : vector<496x32xi32> to vector<496x32xf32>
    %eq3A_20 = vector.broadcast %sub3A_17 : vector<496x1xi32> to vector<496x32xi32>
    %eq3A_21 = arith.cmpi eq, %iota3A, %eq3A_20 : vector<496x32xi32>
    %convert_element_type3A_22 = arith.extui %eq3A_21 : vector<496x32xi1> to vector<496x32xi32>
    %convert_element_type3A_23 = arith.sitofp %convert_element_type3A_22 : vector<496x32xi32> to vector<496x32xf32>
    %iota3A_24 = tpu.iota {dimensions = array<i32: 1>} : vector<496x256xi32>
    %and3A = arith.constant 31 : i32
    %and3A_25 = vector.broadcast %and3A : i32 to vector<496x256xi32>
    %and3A_26 = arith.andi %iota3A_24, %and3A_25 : vector<496x256xi32>
    %eq3A_27 = vector.broadcast %sub3A_12 : vector<496x1xi32> to vector<496x256xi32>
    %eq3A_28 = arith.cmpi eq, %and3A_26, %eq3A_27 : vector<496x256xi32>
    %convert_element_type3A_29 = arith.extui %eq3A_28 : vector<496x256xi1> to vector<496x256xi32>
    %convert_element_type3A_30 = arith.sitofp %convert_element_type3A_29 : vector<496x256xi32> to vector<496x256xf32>
    %eq3A_31 = vector.broadcast %sub3A_17 : vector<496x1xi32> to vector<496x256xi32>
    %eq3A_32 = arith.cmpi eq, %and3A_26, %eq3A_31 : vector<496x256xi32>
    %convert_element_type3A_33 = arith.extui %eq3A_32 : vector<496x256xi1> to vector<496x256xi32>
    %convert_element_type3A_34 = arith.sitofp %convert_element_type3A_33 : vector<496x256xi32> to vector<496x256xf32>
    %sub3A_35 = arith.subf %convert_element_type3A_30, %convert_element_type3A_34 : vector<496x256xf32>
    %iota3A_36 = tpu.iota {dimensions = array<i32: 0>} : vector<256x8xi32>
    %iota3A_37 = tpu.iota {dimensions = array<i32: 1>} : vector<256x8xi32>
    %shift_right_logical3A = arith.constant 5 : i32
    %shift_right_logical3A_38 = vector.broadcast %shift_right_logical3A : i32 to vector<256x8xi32>
    %shift_right_logical3A_39 = arith.shrui %iota3A_36, %shift_right_logical3A_38 : vector<256x8xi32>
    %eq3A_40 = arith.cmpi eq, %shift_right_logical3A_39, %iota3A_37 : vector<256x8xi32>
    %convert_element_type3A_41 = arith.extui %eq3A_40 : vector<256x8xi1> to vector<256x8xi32>
    %convert_element_type3A_42 = arith.sitofp %convert_element_type3A_41 : vector<256x8xi32> to vector<256x8xf32>
    %get3A_43 = arith.constant 0 : index
    %get3A_44 = arith.constant 0 : index
    %get3A_45 = vector.load %arg8[%get3A_43, %get3A_44] : memref<128x1024xf32, #tpu.memory_space<vmem>>, vector<128x1024xf32>
    %dot_general3A = arith.constant dense<0.000000e+00> : vector<32x1024xf32>
    %dot_general3A_46 = tpu.matmul %get3A_1, %get3A_45, %dot_general3A {dimension_numbers = #tpu.dot_dimension_numbers<[1], [0], [0], [1], [0, 0, 1, 1], [], []>, transpose_lhs_hint = false} : vector<32x128xf32>, vector<128x1024xf32>, vector<32x1024xf32> -> vector<32x1024xf32>
    %get3A_47 = arith.constant 0 : index
    %get3A_48 = arith.constant 0 : index
    %get3A_49 = vector.load %arg9[%get3A_47, %get3A_48] : memref<1x1024xf32, #tpu.memory_space<vmem>>, vector<1x1024xf32>
    %mul3A_50 = vector.broadcast %get3A_7 : vector<32x1xf32> to vector<32x1024xf32>
    %mul3A_51 = vector.broadcast %get3A_49 : vector<1x1024xf32> to vector<32x1024xf32>
    %mul3A_52 = arith.mulf %mul3A_50, %mul3A_51 : vector<32x1024xf32>
    %add3A = arith.addf %dot_general3A_46, %mul3A_52 : vector<32x1024xf32>
    %get3A_53 = arith.constant 0 : index
    %get3A_54 = arith.constant 0 : index
    %get3A_55 = vector.load %arg10[%get3A_53, %get3A_54] : memref<128x1024xf32, #tpu.memory_space<vmem>>, vector<128x1024xf32>
    %dot_general3A_56 = arith.constant dense<0.000000e+00> : vector<32x1024xf32>
    %dot_general3A_57 = tpu.matmul %get3A_1, %get3A_55, %dot_general3A_56 {dimension_numbers = #tpu.dot_dimension_numbers<[1], [0], [0], [1], [0, 0, 1, 1], [], []>, transpose_lhs_hint = false} : vector<32x128xf32>, vector<128x1024xf32>, vector<32x1024xf32> -> vector<32x1024xf32>
    %get3A_58 = arith.constant 0 : index
    %get3A_59 = arith.constant 0 : index
    %get3A_60 = vector.load %arg11[%get3A_58, %get3A_59] : memref<1x1024xf32, #tpu.memory_space<vmem>>, vector<1x1024xf32>
    %mul3A_61 = vector.broadcast %get3A_7 : vector<32x1xf32> to vector<32x1024xf32>
    %mul3A_62 = vector.broadcast %get3A_60 : vector<1x1024xf32> to vector<32x1024xf32>
    %mul3A_63 = arith.mulf %mul3A_61, %mul3A_62 : vector<32x1024xf32>
    %add3A_64 = arith.addf %dot_general3A_57, %mul3A_63 : vector<32x1024xf32>
    %get3A_65 = arith.constant 0 : index
    %get3A_66 = arith.constant 0 : index
    %get3A_67 = vector.load %arg4[%get3A_65, %get3A_66] : memref<496x64xf32, #tpu.memory_space<vmem>>, vector<496x64xf32>
    %mul3A_68 = arith.constant 1.000000e-01 : f32
    %mul3A_69 = vector.broadcast %mul3A_68 : f32 to vector<496x64xf32>
    %mul3A_70 = arith.mulf %mul3A_69, %get3A_67 : vector<496x64xf32>
    %add3A_71 = arith.addf %get3A_4, %mul3A_70 : vector<496x64xf32>
    %get3A_72 = arith.constant 0 : index
    %get3A_73 = arith.constant 0 : index
    %get3A_74 = vector.load %arg7[%get3A_72, %get3A_73] : memref<64x1024xf32, #tpu.memory_space<vmem>>, vector<64x128xf32>
    %slice3A_75 = vector.extract_strided_slice %add3A {offsets = [0, 0], sizes = [32, 128], strides = [1, 1]} : vector<32x1024xf32> to vector<32x128xf32>
    %dot_general3A_76 = arith.constant dense<0.000000e+00> : vector<64x32xf32>
    %dot_general3A_77 = tpu.matmul %get3A_74, %slice3A_75, %dot_general3A_76 {dimension_numbers = #tpu.dot_dimension_numbers<[1], [1], [0], [0], [0, 0, 1, 0], [], []>, transpose_lhs_hint = false} : vector<64x128xf32>, vector<32x128xf32>, vector<64x32xf32> -> vector<64x32xf32>
    %get3A_78 = arith.constant 0 : index
    %get3A_79 = arith.constant 128 : index
    %get3A_80 = vector.load %arg7[%get3A_78, %get3A_79] : memref<64x1024xf32, #tpu.memory_space<vmem>>, vector<64x128xf32>
    %slice3A_81 = vector.extract_strided_slice %add3A {offsets = [0, 128], sizes = [32, 128], strides = [1, 1]} : vector<32x1024xf32> to vector<32x128xf32>
    %dot_general3A_82 = arith.constant dense<0.000000e+00> : vector<64x32xf32>
    %dot_general3A_83 = tpu.matmul %get3A_80, %slice3A_81, %dot_general3A_82 {dimension_numbers = #tpu.dot_dimension_numbers<[1], [1], [0], [0], [0, 0, 1, 0], [], []>, transpose_lhs_hint = false} : vector<64x128xf32>, vector<32x128xf32>, vector<64x32xf32> -> vector<64x32xf32>
    %get3A_84 = arith.constant 0 : index
    %get3A_85 = arith.constant 256 : index
    %get3A_86 = vector.load %arg7[%get3A_84, %get3A_85] : memref<64x1024xf32, #tpu.memory_space<vmem>>, vector<64x128xf32>
    %slice3A_87 = vector.extract_strided_slice %add3A {offsets = [0, 256], sizes = [32, 128], strides = [1, 1]} : vector<32x1024xf32> to vector<32x128xf32>
    %dot_general3A_88 = arith.constant dense<0.000000e+00> : vector<64x32xf32>
    %dot_general3A_89 = tpu.matmul %get3A_86, %slice3A_87, %dot_general3A_88 {dimension_numbers = #tpu.dot_dimension_numbers<[1], [1], [0], [0], [0, 0, 1, 0], [], []>, transpose_lhs_hint = false} : vector<64x128xf32>, vector<32x128xf32>, vector<64x32xf32> -> vector<64x32xf32>
    %get3A_90 = arith.constant 0 : index
    %get3A_91 = arith.constant 384 : index
    %get3A_92 = vector.load %arg7[%get3A_90, %get3A_91] : memref<64x1024xf32, #tpu.memory_space<vmem>>, vector<64x128xf32>
    %slice3A_93 = vector.extract_strided_slice %add3A {offsets = [0, 384], sizes = [32, 128], strides = [1, 1]} : vector<32x1024xf32> to vector<32x128xf32>
    %dot_general3A_94 = arith.constant dense<0.000000e+00> : vector<64x32xf32>
    %dot_general3A_95 = tpu.matmul %get3A_92, %slice3A_93, %dot_general3A_94 {dimension_numbers = #tpu.dot_dimension_numbers<[1], [1], [0], [0], [0, 0, 1, 0], [], []>, transpose_lhs_hint = false} : vector<64x128xf32>, vector<32x128xf32>, vector<64x32xf32> -> vector<64x32xf32>
    %get3A_96 = arith.constant 0 : index
    %get3A_97 = arith.constant 512 : index
    %get3A_98 = vector.load %arg7[%get3A_96, %get3A_97] : memref<64x1024xf32, #tpu.memory_space<vmem>>, vector<64x128xf32>
    %slice3A_99 = vector.extract_strided_slice %add3A {offsets = [0, 512], sizes = [32, 128], strides = [1, 1]} : vector<32x1024xf32> to vector<32x128xf32>
    %dot_general3A_100 = arith.constant dense<0.000000e+00> : vector<64x32xf32>
    %dot_general3A_101 = tpu.matmul %get3A_98, %slice3A_99, %dot_general3A_100 {dimension_numbers = #tpu.dot_dimension_numbers<[1], [1], [0], [0], [0, 0, 1, 0], [], []>, transpose_lhs_hint = false} : vector<64x128xf32>, vector<32x128xf32>, vector<64x32xf32> -> vector<64x32xf32>
    %get3A_102 = arith.constant 0 : index
    %get3A_103 = arith.constant 640 : index
    %get3A_104 = vector.load %arg7[%get3A_102, %get3A_103] : memref<64x1024xf32, #tpu.memory_space<vmem>>, vector<64x128xf32>
    %slice3A_105 = vector.extract_strided_slice %add3A {offsets = [0, 640], sizes = [32, 128], strides = [1, 1]} : vector<32x1024xf32> to vector<32x128xf32>
    %dot_general3A_106 = arith.constant dense<0.000000e+00> : vector<64x32xf32>
    %dot_general3A_107 = tpu.matmul %get3A_104, %slice3A_105, %dot_general3A_106 {dimension_numbers = #tpu.dot_dimension_numbers<[1], [1], [0], [0], [0, 0, 1, 0], [], []>, transpose_lhs_hint = false} : vector<64x128xf32>, vector<32x128xf32>, vector<64x32xf32> -> vector<64x32xf32>
    %get3A_108 = arith.constant 0 : index
    %get3A_109 = arith.constant 768 : index
    %get3A_110 = vector.load %arg7[%get3A_108, %get3A_109] : memref<64x1024xf32, #tpu.memory_space<vmem>>, vector<64x128xf32>
    %slice3A_111 = vector.extract_strided_slice %add3A {offsets = [0, 768], sizes = [32, 128], strides = [1, 1]} : vector<32x1024xf32> to vector<32x128xf32>
    %dot_general3A_112 = arith.constant dense<0.000000e+00> : vector<64x32xf32>
    %dot_general3A_113 = tpu.matmul %get3A_110, %slice3A_111, %dot_general3A_112 {dimension_numbers = #tpu.dot_dimension_numbers<[1], [1], [0], [0], [0, 0, 1, 0], [], []>, transpose_lhs_hint = false} : vector<64x128xf32>, vector<32x128xf32>, vector<64x32xf32> -> vector<64x32xf32>
    %get3A_114 = arith.constant 0 : index
    %get3A_115 = arith.constant 896 : index
    %get3A_116 = vector.load %arg7[%get3A_114, %get3A_115] : memref<64x1024xf32, #tpu.memory_space<vmem>>, vector<64x128xf32>
    %slice3A_117 = vector.extract_strided_slice %add3A {offsets = [0, 896], sizes = [32, 128], strides = [1, 1]} : vector<32x1024xf32> to vector<32x128xf32>
    %dot_general3A_118 = arith.constant dense<0.000000e+00> : vector<64x32xf32>
    %dot_general3A_119 = tpu.matmul %get3A_116, %slice3A_117, %dot_general3A_118 {dimension_numbers = #tpu.dot_dimension_numbers<[1], [1], [0], [0], [0, 0, 1, 0], [], []>, transpose_lhs_hint = false} : vector<64x128xf32>, vector<32x128xf32>, vector<64x32xf32> -> vector<64x32xf32>
    %concatenate3A = tpu.concatenate %dot_general3A_77, %dot_general3A_83, %dot_general3A_89, %dot_general3A_95, %dot_general3A_101, %dot_general3A_107, %dot_general3A_113, %dot_general3A_119 in 1 : vector<64x32xf32>, vector<64x32xf32>, vector<64x32xf32>, vector<64x32xf32>, vector<64x32xf32>, vector<64x32xf32>, vector<64x32xf32>, vector<64x32xf32> -> vector<64x256xf32>
    %dot_general3A_120 = arith.constant dense<0.000000e+00> : vector<496x256xf32>
    %dot_general3A_121 = tpu.matmul %add3A_71, %concatenate3A, %dot_general3A_120 {dimension_numbers = #tpu.dot_dimension_numbers<[1], [0], [0], [1], [0, 0, 1, 1], [], []>, transpose_lhs_hint = false} : vector<496x64xf32>, vector<64x256xf32>, vector<496x256xf32> -> vector<496x256xf32>
    %mul3A_122 = arith.constant 0.0883883461 : f32
    %mul3A_123 = vector.broadcast %mul3A_122 : f32 to vector<496x256xf32>
    %mul3A_124 = arith.mulf %dot_general3A_121, %mul3A_123 : vector<496x256xf32>
    %mul3A_125 = arith.mulf %sub3A_35, %mul3A_124 : vector<496x256xf32>
    %dot_general3A_126 = arith.constant dense<0.000000e+00> : vector<496x8xf32>
    %dot_general3A_127 = tpu.matmul %mul3A_125, %convert_element_type3A_42, %dot_general3A_126 {dimension_numbers = #tpu.dot_dimension_numbers<[1], [0], [0], [1], [0, 0, 1, 1], [], []>, transpose_lhs_hint = false} : vector<496x256xf32>, vector<256x8xf32>, vector<496x8xf32> -> vector<496x8xf32>
    %neg3A = arith.constant 0.000000e+00 : f32
    %neg3A_128 = vector.broadcast %neg3A : f32 to vector<496x8xf32>
    %neg3A_129 = arith.subf %neg3A_128, %dot_general3A_127 : vector<496x8xf32>
    %exp3A = math.exp %neg3A_129 : vector<496x8xf32>
    %add3A_130 = arith.constant 1.000000e+00 : f32
    %add3A_131 = vector.broadcast %add3A_130 : f32 to vector<496x8xf32>
    %add3A_132 = arith.addf %add3A_131, %exp3A : vector<496x8xf32>
    %div3A = arith.constant 1.000000e+00 : f32
    %div3A_133 = vector.broadcast %div3A : f32 to vector<496x8xf32>
    %div3A_134 = arith.divf %div3A_133, %add3A_132 : vector<496x8xf32>
    %dot_general3A_135 = arith.constant dense<0.000000e+00> : vector<496x256xf32>
    %dot_general3A_136 = tpu.matmul %div3A_134, %convert_element_type3A_42, %dot_general3A_135 {dimension_numbers = #tpu.dot_dimension_numbers<[1], [1], [0], [0], [0, 0, 1, 0], [], []>, transpose_lhs_hint = false} : vector<496x8xf32>, vector<256x8xf32>, vector<496x256xf32> -> vector<496x256xf32>
    %mul3A_137 = arith.mulf %sub3A_35, %dot_general3A_136 : vector<496x256xf32>
    %sub3A_138 = arith.subf %convert_element_type3A_30, %sub3A_35 : vector<496x256xf32>
    %add3A_139 = arith.addf %mul3A_137, %sub3A_138 : vector<496x256xf32>
    %slice3A_140 = vector.extract_strided_slice %add3A_64 {offsets = [0, 0], sizes = [32, 128], strides = [1, 1]} : vector<32x1024xf32> to vector<32x128xf32>
    %get3A_141 = arith.constant 0 : index
    %get3A_142 = arith.constant 0 : index
    %get3A_143 = vector.load %arg12[%get3A_141, %get3A_142] : memref<1024x64xf32, #tpu.memory_space<vmem>>, vector<128x64xf32>
    %dot_general3A_144 = arith.constant dense<0.000000e+00> : vector<32x64xf32>
    %dot_general3A_145 = tpu.matmul %slice3A_140, %get3A_143, %dot_general3A_144 {dimension_numbers = #tpu.dot_dimension_numbers<[1], [0], [0], [1], [0, 0, 1, 1], [], []>, transpose_lhs_hint = false} : vector<32x128xf32>, vector<128x64xf32>, vector<32x64xf32> -> vector<32x64xf32>
    %slice3A_146 = vector.extract_strided_slice %add3A_64 {offsets = [0, 128], sizes = [32, 128], strides = [1, 1]} : vector<32x1024xf32> to vector<32x128xf32>
    %get3A_147 = arith.constant 128 : index
    %get3A_148 = arith.constant 0 : index
    %get3A_149 = vector.load %arg12[%get3A_147, %get3A_148] : memref<1024x64xf32, #tpu.memory_space<vmem>>, vector<128x64xf32>
    %dot_general3A_150 = arith.constant dense<0.000000e+00> : vector<32x64xf32>
    %dot_general3A_151 = tpu.matmul %slice3A_146, %get3A_149, %dot_general3A_150 {dimension_numbers = #tpu.dot_dimension_numbers<[1], [0], [0], [1], [0, 0, 1, 1], [], []>, transpose_lhs_hint = false} : vector<32x128xf32>, vector<128x64xf32>, vector<32x64xf32> -> vector<32x64xf32>
    %slice3A_152 = vector.extract_strided_slice %add3A_64 {offsets = [0, 256], sizes = [32, 128], strides = [1, 1]} : vector<32x1024xf32> to vector<32x128xf32>
    %get3A_153 = arith.constant 256 : index
    %get3A_154 = arith.constant 0 : index
    %get3A_155 = vector.load %arg12[%get3A_153, %get3A_154] : memref<1024x64xf32, #tpu.memory_space<vmem>>, vector<128x64xf32>
    %dot_general3A_156 = arith.constant dense<0.000000e+00> : vector<32x64xf32>
    %dot_general3A_157 = tpu.matmul %slice3A_152, %get3A_155, %dot_general3A_156 {dimension_numbers = #tpu.dot_dimension_numbers<[1], [0], [0], [1], [0, 0, 1, 1], [], []>, transpose_lhs_hint = false} : vector<32x128xf32>, vector<128x64xf32>, vector<32x64xf32> -> vector<32x64xf32>
    %slice3A_158 = vector.extract_strided_slice %add3A_64 {offsets = [0, 384], sizes = [32, 128], strides = [1, 1]} : vector<32x1024xf32> to vector<32x128xf32>
    %get3A_159 = arith.constant 384 : index
    %get3A_160 = arith.constant 0 : index
    %get3A_161 = vector.load %arg12[%get3A_159, %get3A_160] : memref<1024x64xf32, #tpu.memory_space<vmem>>, vector<128x64xf32>
    %dot_general3A_162 = arith.constant dense<0.000000e+00> : vector<32x64xf32>
    %dot_general3A_163 = tpu.matmul %slice3A_158, %get3A_161, %dot_general3A_162 {dimension_numbers = #tpu.dot_dimension_numbers<[1], [0], [0], [1], [0, 0, 1, 1], [], []>, transpose_lhs_hint = false} : vector<32x128xf32>, vector<128x64xf32>, vector<32x64xf32> -> vector<32x64xf32>
    %slice3A_164 = vector.extract_strided_slice %add3A_64 {offsets = [0, 512], sizes = [32, 128], strides = [1, 1]} : vector<32x1024xf32> to vector<32x128xf32>
    %get3A_165 = arith.constant 512 : index
    %get3A_166 = arith.constant 0 : index
    %get3A_167 = vector.load %arg12[%get3A_165, %get3A_166] : memref<1024x64xf32, #tpu.memory_space<vmem>>, vector<128x64xf32>
    %dot_general3A_168 = arith.constant dense<0.000000e+00> : vector<32x64xf32>
    %dot_general3A_169 = tpu.matmul %slice3A_164, %get3A_167, %dot_general3A_168 {dimension_numbers = #tpu.dot_dimension_numbers<[1], [0], [0], [1], [0, 0, 1, 1], [], []>, transpose_lhs_hint = false} : vector<32x128xf32>, vector<128x64xf32>, vector<32x64xf32> -> vector<32x64xf32>
    %slice3A_170 = vector.extract_strided_slice %add3A_64 {offsets = [0, 640], sizes = [32, 128], strides = [1, 1]} : vector<32x1024xf32> to vector<32x128xf32>
    %get3A_171 = arith.constant 640 : index
    %get3A_172 = arith.constant 0 : index
    %get3A_173 = vector.load %arg12[%get3A_171, %get3A_172] : memref<1024x64xf32, #tpu.memory_space<vmem>>, vector<128x64xf32>
    %dot_general3A_174 = arith.constant dense<0.000000e+00> : vector<32x64xf32>
    %dot_general3A_175 = tpu.matmul %slice3A_170, %get3A_173, %dot_general3A_174 {dimension_numbers = #tpu.dot_dimension_numbers<[1], [0], [0], [1], [0, 0, 1, 1], [], []>, transpose_lhs_hint = false} : vector<32x128xf32>, vector<128x64xf32>, vector<32x64xf32> -> vector<32x64xf32>
    %slice3A_176 = vector.extract_strided_slice %add3A_64 {offsets = [0, 768], sizes = [32, 128], strides = [1, 1]} : vector<32x1024xf32> to vector<32x128xf32>
    %get3A_177 = arith.constant 768 : index
    %get3A_178 = arith.constant 0 : index
    %get3A_179 = vector.load %arg12[%get3A_177, %get3A_178] : memref<1024x64xf32, #tpu.memory_space<vmem>>, vector<128x64xf32>
    %dot_general3A_180 = arith.constant dense<0.000000e+00> : vector<32x64xf32>
    %dot_general3A_181 = tpu.matmul %slice3A_176, %get3A_179, %dot_general3A_180 {dimension_numbers = #tpu.dot_dimension_numbers<[1], [0], [0], [1], [0, 0, 1, 1], [], []>, transpose_lhs_hint = false} : vector<32x128xf32>, vector<128x64xf32>, vector<32x64xf32> -> vector<32x64xf32>
    %slice3A_182 = vector.extract_strided_slice %add3A_64 {offsets = [0, 896], sizes = [32, 128], strides = [1, 1]} : vector<32x1024xf32> to vector<32x128xf32>
    %get3A_183 = arith.constant 896 : index
    %get3A_184 = arith.constant 0 : index
    %get3A_185 = vector.load %arg12[%get3A_183, %get3A_184] : memref<1024x64xf32, #tpu.memory_space<vmem>>, vector<128x64xf32>
    %dot_general3A_186 = arith.constant dense<0.000000e+00> : vector<32x64xf32>
    %dot_general3A_187 = tpu.matmul %slice3A_182, %get3A_185, %dot_general3A_186 {dimension_numbers = #tpu.dot_dimension_numbers<[1], [0], [0], [1], [0, 0, 1, 1], [], []>, transpose_lhs_hint = false} : vector<32x128xf32>, vector<128x64xf32>, vector<32x64xf32> -> vector<32x64xf32>
    %concatenate3A_188 = tpu.concatenate %dot_general3A_145, %dot_general3A_151, %dot_general3A_157, %dot_general3A_163, %dot_general3A_169, %dot_general3A_175, %dot_general3A_181, %dot_general3A_187 in 0 : vector<32x64xf32>, vector<32x64xf32>, vector<32x64xf32>, vector<32x64xf32>, vector<32x64xf32>, vector<32x64xf32>, vector<32x64xf32>, vector<32x64xf32> -> vector<256x64xf32>
    %dot_general3A_189 = arith.constant dense<0.000000e+00> : vector<496x64xf32>
    %dot_general3A_190 = tpu.matmul %add3A_139, %concatenate3A_188, %dot_general3A_189 {dimension_numbers = #tpu.dot_dimension_numbers<[1], [0], [0], [1], [0, 0, 1, 1], [], []>, transpose_lhs_hint = false} : vector<496x256xf32>, vector<256x64xf32>, vector<496x64xf32> -> vector<496x64xf32>
    %add3A_191 = arith.addf %add3A_71, %dot_general3A_190 : vector<496x64xf32>
    %get3A_192 = arith.constant 0 : index
    %get3A_193 = arith.constant 0 : index
    %get3A_194 = vector.load %arg13[%get3A_192, %get3A_193] : memref<64x128xf32, #tpu.memory_space<vmem>>, vector<64x128xf32>
    %dot_general3A_195 = arith.constant dense<0.000000e+00> : vector<496x128xf32>
    %dot_general3A_196 = tpu.matmul %add3A_191, %get3A_194, %dot_general3A_195 {dimension_numbers = #tpu.dot_dimension_numbers<[1], [0], [0], [1], [0, 0, 1, 1], [], []>, transpose_lhs_hint = false} : vector<496x64xf32>, vector<64x128xf32>, vector<496x128xf32> -> vector<496x128xf32>
    %max3A = arith.constant 0.000000e+00 : f32
    %max3A_197 = vector.broadcast %max3A : f32 to vector<496x128xf32>
    %max3A_198 = arith.maximumf %dot_general3A_196, %max3A_197 : vector<496x128xf32>
    %get3A_199 = arith.constant 0 : index
    %get3A_200 = arith.constant 0 : index
    %get3A_201 = vector.load %arg14[%get3A_199, %get3A_200] : memref<128x128xf32, #tpu.memory_space<vmem>>, vector<128x128xf32>
    %dot_general3A_202 = arith.constant dense<0.000000e+00> : vector<496x128xf32>
    %dot_general3A_203 = tpu.matmul %max3A_198, %get3A_201, %dot_general3A_202 {dimension_numbers = #tpu.dot_dimension_numbers<[1], [0], [0], [1], [0, 0, 1, 1], [], []>, transpose_lhs_hint = false} : vector<496x128xf32>, vector<128x128xf32>, vector<496x128xf32> -> vector<496x128xf32>
    %max3A_204 = arith.constant 0.000000e+00 : f32
    %max3A_205 = vector.broadcast %max3A_204 : f32 to vector<496x128xf32>
    %max3A_206 = arith.maximumf %dot_general3A_203, %max3A_205 : vector<496x128xf32>
    %get3A_207 = arith.constant 0 : index
    %get3A_208 = arith.constant 0 : index
    %get3A_209 = vector.load %arg15[%get3A_207, %get3A_208] : memref<128x64xf32, #tpu.memory_space<vmem>>, vector<128x64xf32>
    %dot_general3A_210 = arith.constant dense<0.000000e+00> : vector<496x64xf32>
    %dot_general3A_211 = tpu.matmul %max3A_206, %get3A_209, %dot_general3A_210 {dimension_numbers = #tpu.dot_dimension_numbers<[1], [0], [0], [1], [0, 0, 1, 1], [], []>, transpose_lhs_hint = false} : vector<496x128xf32>, vector<128x64xf32>, vector<496x64xf32> -> vector<496x64xf32>
    %add3A_212 = arith.addf %add3A_191, %dot_general3A_211 : vector<496x64xf32>
    %swap3A = arith.constant 0 : index
    %swap3A_213 = arith.constant 0 : index
    %swap3A_214 = vector.load %arg26[%swap3A, %swap3A_213] : memref<496x64xf32, #tpu.memory_space<vmem>>, vector<496x64xf32>
    tpu.vector_store %arg26[%swap3A, %swap3A_213], %add3A_212 {strides = array<i32>} : memref<496x64xf32, #tpu.memory_space<vmem>>, vector<496x64xf32>,
    %dot_general3A_215 = arith.constant dense<0.000000e+00> : vector<496x1xf32>
    %dot_general3A_216 = tpu.matmul %convert_element_type3A_23, %get3A_7, %dot_general3A_215 {dimension_numbers = #tpu.dot_dimension_numbers<[1], [0], [0], [1], [0, 0, 1, 1], [], []>, transpose_lhs_hint = false} : vector<496x32xf32>, vector<32x1xf32>, vector<496x1xf32> -> vector<496x1xf32>
    %mul3A_217 = arith.constant 1.562500e-02 : f32
    %mul3A_218 = vector.broadcast %mul3A_217 : f32 to vector<496x1xf32>
    %mul3A_219 = arith.mulf %dot_general3A_216, %mul3A_218 : vector<496x1xf32>
    %dot_general3A_220 = arith.constant dense<0.000000e+00> : vector<496x1xf32>
    %dot_general3A_221 = tpu.matmul %convert_element_type3A_19, %get3A_7, %dot_general3A_220 {dimension_numbers = #tpu.dot_dimension_numbers<[1], [0], [0], [1], [0, 0, 1, 1], [], []>, transpose_lhs_hint = false} : vector<496x32xf32>, vector<32x1xf32>, vector<496x1xf32> -> vector<496x1xf32>
    %mul3A_222 = arith.constant 1.562500e-02 : f32
    %mul3A_223 = vector.broadcast %mul3A_222 : f32 to vector<496x1xf32>
    %mul3A_224 = arith.mulf %dot_general3A_221, %mul3A_223 : vector<496x1xf32>
    %get3A_225 = arith.constant 0 : index
    %get3A_226 = arith.constant 0 : index
    %get3A_227 = vector.load %arg17[%get3A_225, %get3A_226] : memref<64x512xf32, #tpu.memory_space<vmem>>, vector<64x512xf32>
    %dot_general3A_228 = arith.constant dense<0.000000e+00> : vector<496x512xf32>
    %dot_general3A_229 = tpu.matmul %get3A_4, %get3A_227, %dot_general3A_228 {dimension_numbers = #tpu.dot_dimension_numbers<[1], [0], [0], [1], [0, 0, 1, 1], [], []>, transpose_lhs_hint = false} : vector<496x64xf32>, vector<64x512xf32>, vector<496x512xf32> -> vector<496x512xf32>
    %get3A_230 = arith.constant 0 : index
    %get3A_231 = arith.constant 0 : index
    %get3A_232 = vector.load %arg18[%get3A_230, %get3A_231] : memref<2x512xf32, #tpu.memory_space<vmem>>, vector<1x512xf32>
    %mul3A_233 = vector.broadcast %mul3A_219 : vector<496x1xf32> to vector<496x512xf32>
    %mul3A_234 = vector.broadcast %get3A_232 : vector<1x512xf32> to vector<496x512xf32>
    %mul3A_235 = arith.mulf %mul3A_233, %mul3A_234 : vector<496x512xf32>
    %add3A_236 = arith.addf %dot_general3A_229, %mul3A_235 : vector<496x512xf32>
    %get3A_237 = arith.constant 1 : index
    %get3A_238 = arith.constant 0 : index
    %get3A_239 = vector.load %arg18[%get3A_237, %get3A_238] : memref<2x512xf32, #tpu.memory_space<vmem>>, vector<1x512xf32>
    %mul3A_240 = vector.broadcast %mul3A_224 : vector<496x1xf32> to vector<496x512xf32>
    %mul3A_241 = vector.broadcast %get3A_239 : vector<1x512xf32> to vector<496x512xf32>
    %mul3A_242 = arith.mulf %mul3A_240, %mul3A_241 : vector<496x512xf32>
    %add3A_243 = arith.addf %add3A_236, %mul3A_242 : vector<496x512xf32>
    %get3A_244 = arith.constant 0 : index
    %get3A_245 = arith.constant 0 : index
    %get3A_246 = vector.load %arg19[%get3A_244, %get3A_245] : memref<64x512xf32, #tpu.memory_space<vmem>>, vector<64x512xf32>
    %dot_general3A_247 = arith.constant dense<0.000000e+00> : vector<496x512xf32>
    %dot_general3A_248 = tpu.matmul %get3A_4, %get3A_246, %dot_general3A_247 {dimension_numbers = #tpu.dot_dimension_numbers<[1], [0], [0], [1], [0, 0, 1, 1], [], []>, transpose_lhs_hint = false} : vector<496x64xf32>, vector<64x512xf32>, vector<496x512xf32> -> vector<496x512xf32>
    %get3A_249 = arith.constant 0 : index
    %get3A_250 = arith.constant 0 : index
    %get3A_251 = vector.load %arg20[%get3A_249, %get3A_250] : memref<2x512xf32, #tpu.memory_space<vmem>>, vector<1x512xf32>
    %mul3A_252 = vector.broadcast %mul3A_219 : vector<496x1xf32> to vector<496x512xf32>
    %mul3A_253 = vector.broadcast %get3A_251 : vector<1x512xf32> to vector<496x512xf32>
    %mul3A_254 = arith.mulf %mul3A_252, %mul3A_253 : vector<496x512xf32>
    %add3A_255 = arith.addf %dot_general3A_248, %mul3A_254 : vector<496x512xf32>
    %get3A_256 = arith.constant 1 : index
    %get3A_257 = arith.constant 0 : index
    %get3A_258 = vector.load %arg20[%get3A_256, %get3A_257] : memref<2x512xf32, #tpu.memory_space<vmem>>, vector<1x512xf32>
    %mul3A_259 = vector.broadcast %mul3A_224 : vector<496x1xf32> to vector<496x512xf32>
    %mul3A_260 = vector.broadcast %get3A_258 : vector<1x512xf32> to vector<496x512xf32>
    %mul3A_261 = arith.mulf %mul3A_259, %mul3A_260 : vector<496x512xf32>
    %add3A_262 = arith.addf %add3A_255, %mul3A_261 : vector<496x512xf32>
    %get3A_263 = arith.constant 0 : index
    %get3A_264 = arith.constant 0 : index
    %get3A_265 = vector.load %arg3[%get3A_263, %get3A_264] : memref<32x128xf32, #tpu.memory_space<vmem>>, vector<32x128xf32>
    %mul3A_266 = arith.constant 1.000000e-01 : f32
    %mul3A_267 = vector.broadcast %mul3A_266 : f32 to vector<32x128xf32>
    %mul3A_268 = arith.mulf %mul3A_267, %get3A_265 : vector<32x128xf32>
    %add3A_269 = arith.addf %get3A_1, %mul3A_268 : vector<32x128xf32>
    %get3A_270 = arith.constant 0 : index
    %get3A_271 = arith.constant 0 : index
    %get3A_272 = vector.load %arg16[%get3A_270, %get3A_271] : memref<128x512xf32, #tpu.memory_space<vmem>>, vector<128x512xf32>
    %dot_general3A_273 = arith.constant dense<0.000000e+00> : vector<32x512xf32>
    %dot_general3A_274 = tpu.matmul %add3A_269, %get3A_272, %dot_general3A_273 {dimension_numbers = #tpu.dot_dimension_numbers<[1], [0], [0], [1], [0, 0, 1, 1], [], []>, transpose_lhs_hint = false} : vector<32x128xf32>, vector<128x512xf32>, vector<32x512xf32> -> vector<32x512xf32>
    %slice3A_275 = vector.extract_strided_slice %dot_general3A_274 {offsets = [0, 0], sizes = [32, 64], strides = [1, 1]} : vector<32x512xf32> to vector<32x64xf32>
    %slice3A_276 = vector.extract_strided_slice %add3A_243 {offsets = [0, 0], sizes = [496, 64], strides = [1, 1]} : vector<496x512xf32> to vector<496x64xf32>
    %dot_general3A_277 = arith.constant dense<0.000000e+00> : vector<32x496xf32>
    %dot_general3A_278 = tpu.matmul %slice3A_275, %slice3A_276, %dot_general3A_277 {dimension_numbers = #tpu.dot_dimension_numbers<[1], [1], [0], [0], [0, 0, 1, 0], [], []>, transpose_lhs_hint = false} : vector<32x64xf32>, vector<496x64xf32>, vector<32x496xf32> -> vector<32x496xf32>
    %slice3A_279 = vector.extract_strided_slice %dot_general3A_274 {offsets = [0, 64], sizes = [32, 64], strides = [1, 1]} : vector<32x512xf32> to vector<32x64xf32>
    %slice3A_280 = vector.extract_strided_slice %add3A_243 {offsets = [0, 64], sizes = [496, 64], strides = [1, 1]} : vector<496x512xf32> to vector<496x64xf32>
    %dot_general3A_281 = arith.constant dense<0.000000e+00> : vector<32x496xf32>
    %dot_general3A_282 = tpu.matmul %slice3A_279, %slice3A_280, %dot_general3A_281 {dimension_numbers = #tpu.dot_dimension_numbers<[1], [1], [0], [0], [0, 0, 1, 0], [], []>, transpose_lhs_hint = false} : vector<32x64xf32>, vector<496x64xf32>, vector<32x496xf32> -> vector<32x496xf32>
    %slice3A_283 = vector.extract_strided_slice %dot_general3A_274 {offsets = [0, 128], sizes = [32, 64], strides = [1, 1]} : vector<32x512xf32> to vector<32x64xf32>
    %slice3A_284 = vector.extract_strided_slice %add3A_243 {offsets = [0, 128], sizes = [496, 64], strides = [1, 1]} : vector<496x512xf32> to vector<496x64xf32>
    %dot_general3A_285 = arith.constant dense<0.000000e+00> : vector<32x496xf32>
    %dot_general3A_286 = tpu.matmul %slice3A_283, %slice3A_284, %dot_general3A_285 {dimension_numbers = #tpu.dot_dimension_numbers<[1], [1], [0], [0], [0, 0, 1, 0], [], []>, transpose_lhs_hint = false} : vector<32x64xf32>, vector<496x64xf32>, vector<32x496xf32> -> vector<32x496xf32>
    %slice3A_287 = vector.extract_strided_slice %dot_general3A_274 {offsets = [0, 192], sizes = [32, 64], strides = [1, 1]} : vector<32x512xf32> to vector<32x64xf32>
    %slice3A_288 = vector.extract_strided_slice %add3A_243 {offsets = [0, 192], sizes = [496, 64], strides = [1, 1]} : vector<496x512xf32> to vector<496x64xf32>
    %dot_general3A_289 = arith.constant dense<0.000000e+00> : vector<32x496xf32>
    %dot_general3A_290 = tpu.matmul %slice3A_287, %slice3A_288, %dot_general3A_289 {dimension_numbers = #tpu.dot_dimension_numbers<[1], [1], [0], [0], [0, 0, 1, 0], [], []>, transpose_lhs_hint = false} : vector<32x64xf32>, vector<496x64xf32>, vector<32x496xf32> -> vector<32x496xf32>
    %slice3A_291 = vector.extract_strided_slice %dot_general3A_274 {offsets = [0, 256], sizes = [32, 64], strides = [1, 1]} : vector<32x512xf32> to vector<32x64xf32>
    %slice3A_292 = vector.extract_strided_slice %add3A_243 {offsets = [0, 256], sizes = [496, 64], strides = [1, 1]} : vector<496x512xf32> to vector<496x64xf32>
    %dot_general3A_293 = arith.constant dense<0.000000e+00> : vector<32x496xf32>
    %dot_general3A_294 = tpu.matmul %slice3A_291, %slice3A_292, %dot_general3A_293 {dimension_numbers = #tpu.dot_dimension_numbers<[1], [1], [0], [0], [0, 0, 1, 0], [], []>, transpose_lhs_hint = false} : vector<32x64xf32>, vector<496x64xf32>, vector<32x496xf32> -> vector<32x496xf32>
    %slice3A_295 = vector.extract_strided_slice %dot_general3A_274 {offsets = [0, 320], sizes = [32, 64], strides = [1, 1]} : vector<32x512xf32> to vector<32x64xf32>
    %slice3A_296 = vector.extract_strided_slice %add3A_243 {offsets = [0, 320], sizes = [496, 64], strides = [1, 1]} : vector<496x512xf32> to vector<496x64xf32>
    %dot_general3A_297 = arith.constant dense<0.000000e+00> : vector<32x496xf32>
    %dot_general3A_298 = tpu.matmul %slice3A_295, %slice3A_296, %dot_general3A_297 {dimension_numbers = #tpu.dot_dimension_numbers<[1], [1], [0], [0], [0, 0, 1, 0], [], []>, transpose_lhs_hint = false} : vector<32x64xf32>, vector<496x64xf32>, vector<32x496xf32> -> vector<32x496xf32>
    %slice3A_299 = vector.extract_strided_slice %dot_general3A_274 {offsets = [0, 384], sizes = [32, 64], strides = [1, 1]} : vector<32x512xf32> to vector<32x64xf32>
    %slice3A_300 = vector.extract_strided_slice %add3A_243 {offsets = [0, 384], sizes = [496, 64], strides = [1, 1]} : vector<496x512xf32> to vector<496x64xf32>
    %dot_general3A_301 = arith.constant dense<0.000000e+00> : vector<32x496xf32>
    %dot_general3A_302 = tpu.matmul %slice3A_299, %slice3A_300, %dot_general3A_301 {dimension_numbers = #tpu.dot_dimension_numbers<[1], [1], [0], [0], [0, 0, 1, 0], [], []>, transpose_lhs_hint = false} : vector<32x64xf32>, vector<496x64xf32>, vector<32x496xf32> -> vector<32x496xf32>
    %slice3A_303 = vector.extract_strided_slice %dot_general3A_274 {offsets = [0, 448], sizes = [32, 64], strides = [1, 1]} : vector<32x512xf32> to vector<32x64xf32>
    %slice3A_304 = vector.extract_strided_slice %add3A_243 {offsets = [0, 448], sizes = [496, 64], strides = [1, 1]} : vector<496x512xf32> to vector<496x64xf32>
    %dot_general3A_305 = arith.constant dense<0.000000e+00> : vector<32x496xf32>
    %dot_general3A_306 = tpu.matmul %slice3A_303, %slice3A_304, %dot_general3A_305 {dimension_numbers = #tpu.dot_dimension_numbers<[1], [1], [0], [0], [0, 0, 1, 0], [], []>, transpose_lhs_hint = false} : vector<32x64xf32>, vector<496x64xf32>, vector<32x496xf32> -> vector<32x496xf32>
    %concatenate3A_307 = tpu.concatenate %dot_general3A_278, %dot_general3A_282, %dot_general3A_286, %dot_general3A_290, %dot_general3A_294, %dot_general3A_298, %dot_general3A_302, %dot_general3A_306 in 0 : vector<32x496xf32>, vector<32x496xf32>, vector<32x496xf32>, vector<32x496xf32>, vector<32x496xf32>, vector<32x496xf32>, vector<32x496xf32>, vector<32x496xf32> -> vector<256x496xf32>
    %mul3A_308 = arith.constant 1.250000e-01 : f32
    %mul3A_309 = vector.broadcast %mul3A_308 : f32 to vector<256x496xf32>
    %mul3A_310 = arith.mulf %concatenate3A_307, %mul3A_309 : vector<256x496xf32>
    %add3A_311 = arith.addf %convert_element_type3A_19, %convert_element_type3A_23 : vector<496x32xf32>
    %transpose3A = tpu.transpose %add3A_311, [1, 0] : vector<496x32xf32> -> vector<32x496xf32>
    %concatenate3A_312 = tpu.concatenate %transpose3A, %transpose3A, %transpose3A, %transpose3A, %transpose3A, %transpose3A, %transpose3A, %transpose3A in 0 : vector<32x496xf32>, vector<32x496xf32>, vector<32x496xf32>, vector<32x496xf32>, vector<32x496xf32>, vector<32x496xf32>, vector<32x496xf32>, vector<32x496xf32> -> vector<256x496xf32>
    %sub3A_313 = arith.constant 1.000000e+00 : f32
    %sub3A_314 = vector.broadcast %sub3A_313 : f32 to vector<256x496xf32>
    %sub3A_315 = arith.subf %concatenate3A_312, %sub3A_314 : vector<256x496xf32>
    %mul3A_316 = arith.constant 1.000000e+30 : f32
    %mul3A_317 = vector.broadcast %mul3A_316 : f32 to vector<256x496xf32>
    %mul3A_318 = arith.mulf %sub3A_315, %mul3A_317 : vector<256x496xf32>
    %add3A_319 = arith.addf %mul3A_310, %mul3A_318 : vector<256x496xf32>
    %reduce_max3A = arith.constant dense<0xFF800000> : vector<256xf32>
    %reduce_max3A_320 = vector.multi_reduction <maximumf>, %add3A_319, %reduce_max3A [1] : vector<256x496xf32> to vector<256xf32>
    %broadcast_in_dim3A = vector.shape_cast %reduce_max3A_320 : vector<256xf32> to vector<256x1xf32>
    %sub3A_321 = vector.broadcast %broadcast_in_dim3A : vector<256x1xf32> to vector<256x496xf32>
    %sub3A_322 = arith.subf %add3A_319, %sub3A_321 : vector<256x496xf32>
    %exp3A_323 = math.exp %sub3A_322 : vector<256x496xf32>
    %mul3A_324 = arith.mulf %exp3A_323, %concatenate3A_312 : vector<256x496xf32>
    %reduce_sum3A = arith.constant dense<0.000000e+00> : vector<256xf32>
    %reduce_sum3A_325 = vector.multi_reduction <add>, %mul3A_324, %reduce_sum3A [1] : vector<256x496xf32> to vector<256xf32>
    %broadcast_in_dim3A_326 = vector.shape_cast %reduce_sum3A_325 : vector<256xf32> to vector<256x1xf32>
    %div3A_327 = vector.broadcast %broadcast_in_dim3A_326 : vector<256x1xf32> to vector<256x496xf32>
    %div3A_328 = arith.divf %mul3A_324, %div3A_327 : vector<256x496xf32>
    %slice3A_329 = vector.extract_strided_slice %div3A_328 {offsets = [0, 0], sizes = [32, 496], strides = [1, 1]} : vector<256x496xf32> to vector<32x496xf32>
    %slice3A_330 = vector.extract_strided_slice %add3A_262 {offsets = [0, 0], sizes = [496, 64], strides = [1, 1]} : vector<496x512xf32> to vector<496x64xf32>
    %dot_general3A_331 = arith.constant dense<0.000000e+00> : vector<32x64xf32>
    %dot_general3A_332 = tpu.matmul %slice3A_329, %slice3A_330, %dot_general3A_331 {dimension_numbers = #tpu.dot_dimension_numbers<[1], [0], [0], [1], [0, 0, 1, 1], [], []>, transpose_lhs_hint = false} : vector<32x496xf32>, vector<496x64xf32>, vector<32x64xf32> -> vector<32x64xf32>
    %slice3A_333 = vector.extract_strided_slice %div3A_328 {offsets = [32, 0], sizes = [32, 496], strides = [1, 1]} : vector<256x496xf32> to vector<32x496xf32>
    %slice3A_334 = vector.extract_strided_slice %add3A_262 {offsets = [0, 64], sizes = [496, 64], strides = [1, 1]} : vector<496x512xf32> to vector<496x64xf32>
    %dot_general3A_335 = arith.constant dense<0.000000e+00> : vector<32x64xf32>
    %dot_general3A_336 = tpu.matmul %slice3A_333, %slice3A_334, %dot_general3A_335 {dimension_numbers = #tpu.dot_dimension_numbers<[1], [0], [0], [1], [0, 0, 1, 1], [], []>, transpose_lhs_hint = false} : vector<32x496xf32>, vector<496x64xf32>, vector<32x64xf32> -> vector<32x64xf32>
    %slice3A_337 = vector.extract_strided_slice %div3A_328 {offsets = [64, 0], sizes = [32, 496], strides = [1, 1]} : vector<256x496xf32> to vector<32x496xf32>
    %slice3A_338 = vector.extract_strided_slice %add3A_262 {offsets = [0, 128], sizes = [496, 64], strides = [1, 1]} : vector<496x512xf32> to vector<496x64xf32>
    %dot_general3A_339 = arith.constant dense<0.000000e+00> : vector<32x64xf32>
    %dot_general3A_340 = tpu.matmul %slice3A_337, %slice3A_338, %dot_general3A_339 {dimension_numbers = #tpu.dot_dimension_numbers<[1], [0], [0], [1], [0, 0, 1, 1], [], []>, transpose_lhs_hint = false} : vector<32x496xf32>, vector<496x64xf32>, vector<32x64xf32> -> vector<32x64xf32>
    %slice3A_341 = vector.extract_strided_slice %div3A_328 {offsets = [96, 0], sizes = [32, 496], strides = [1, 1]} : vector<256x496xf32> to vector<32x496xf32>
    %slice3A_342 = vector.extract_strided_slice %add3A_262 {offsets = [0, 192], sizes = [496, 64], strides = [1, 1]} : vector<496x512xf32> to vector<496x64xf32>
    %dot_general3A_343 = arith.constant dense<0.000000e+00> : vector<32x64xf32>
    %dot_general3A_344 = tpu.matmul %slice3A_341, %slice3A_342, %dot_general3A_343 {dimension_numbers = #tpu.dot_dimension_numbers<[1], [0], [0], [1], [0, 0, 1, 1], [], []>, transpose_lhs_hint = false} : vector<32x496xf32>, vector<496x64xf32>, vector<32x64xf32> -> vector<32x64xf32>
    %slice3A_345 = vector.extract_strided_slice %div3A_328 {offsets = [128, 0], sizes = [32, 496], strides = [1, 1]} : vector<256x496xf32> to vector<32x496xf32>
    %slice3A_346 = vector.extract_strided_slice %add3A_262 {offsets = [0, 256], sizes = [496, 64], strides = [1, 1]} : vector<496x512xf32> to vector<496x64xf32>
    %dot_general3A_347 = arith.constant dense<0.000000e+00> : vector<32x64xf32>
    %dot_general3A_348 = tpu.matmul %slice3A_345, %slice3A_346, %dot_general3A_347 {dimension_numbers = #tpu.dot_dimension_numbers<[1], [0], [0], [1], [0, 0, 1, 1], [], []>, transpose_lhs_hint = false} : vector<32x496xf32>, vector<496x64xf32>, vector<32x64xf32> -> vector<32x64xf32>
    %slice3A_349 = vector.extract_strided_slice %div3A_328 {offsets = [160, 0], sizes = [32, 496], strides = [1, 1]} : vector<256x496xf32> to vector<32x496xf32>
    %slice3A_350 = vector.extract_strided_slice %add3A_262 {offsets = [0, 320], sizes = [496, 64], strides = [1, 1]} : vector<496x512xf32> to vector<496x64xf32>
    %dot_general3A_351 = arith.constant dense<0.000000e+00> : vector<32x64xf32>
    %dot_general3A_352 = tpu.matmul %slice3A_349, %slice3A_350, %dot_general3A_351 {dimension_numbers = #tpu.dot_dimension_numbers<[1], [0], [0], [1], [0, 0, 1, 1], [], []>, transpose_lhs_hint = false} : vector<32x496xf32>, vector<496x64xf32>, vector<32x64xf32> -> vector<32x64xf32>
    %slice3A_353 = vector.extract_strided_slice %div3A_328 {offsets = [192, 0], sizes = [32, 496], strides = [1, 1]} : vector<256x496xf32> to vector<32x496xf32>
    %slice3A_354 = vector.extract_strided_slice %add3A_262 {offsets = [0, 384], sizes = [496, 64], strides = [1, 1]} : vector<496x512xf32> to vector<496x64xf32>
    %dot_general3A_355 = arith.constant dense<0.000000e+00> : vector<32x64xf32>
    %dot_general3A_356 = tpu.matmul %slice3A_353, %slice3A_354, %dot_general3A_355 {dimension_numbers = #tpu.dot_dimension_numbers<[1], [0], [0], [1], [0, 0, 1, 1], [], []>, transpose_lhs_hint = false} : vector<32x496xf32>, vector<496x64xf32>, vector<32x64xf32> -> vector<32x64xf32>
    %slice3A_357 = vector.extract_strided_slice %div3A_328 {offsets = [224, 0], sizes = [32, 496], strides = [1, 1]} : vector<256x496xf32> to vector<32x496xf32>
    %slice3A_358 = vector.extract_strided_slice %add3A_262 {offsets = [0, 448], sizes = [496, 64], strides = [1, 1]} : vector<496x512xf32> to vector<496x64xf32>
    %dot_general3A_359 = arith.constant dense<0.000000e+00> : vector<32x64xf32>
    %dot_general3A_360 = tpu.matmul %slice3A_357, %slice3A_358, %dot_general3A_359 {dimension_numbers = #tpu.dot_dimension_numbers<[1], [0], [0], [1], [0, 0, 1, 1], [], []>, transpose_lhs_hint = false} : vector<32x496xf32>, vector<496x64xf32>, vector<32x64xf32> -> vector<32x64xf32>
    %concatenate3A_361 = tpu.concatenate %dot_general3A_332, %dot_general3A_336, %dot_general3A_340, %dot_general3A_344, %dot_general3A_348, %dot_general3A_352, %dot_general3A_356, %dot_general3A_360 in 1 : vector<32x64xf32>, vector<32x64xf32>, vector<32x64xf32>, vector<32x64xf32>, vector<32x64xf32>, vector<32x64xf32>, vector<32x64xf32>, vector<32x64xf32> -> vector<32x512xf32>
    %get3A_362 = arith.constant 0 : index
    %get3A_363 = arith.constant 0 : index
    %get3A_364 = vector.load %arg21[%get3A_362, %get3A_363] : memref<512x128xf32, #tpu.memory_space<vmem>>, vector<512x128xf32>
    %dot_general3A_365 = arith.constant dense<0.000000e+00> : vector<32x128xf32>
    %dot_general3A_366 = tpu.matmul %concatenate3A_361, %get3A_364, %dot_general3A_365 {dimension_numbers = #tpu.dot_dimension_numbers<[1], [0], [0], [1], [0, 0, 1, 1], [], []>, transpose_lhs_hint = false} : vector<32x512xf32>, vector<512x128xf32>, vector<32x128xf32> -> vector<32x128xf32>
    %add3A_367 = arith.addf %add3A_269, %dot_general3A_366 : vector<32x128xf32>
    %get3A_368 = arith.constant 0 : index
    %get3A_369 = arith.constant 0 : index
    %get3A_370 = vector.load %arg22[%get3A_368, %get3A_369] : memref<128x128xf32, #tpu.memory_space<vmem>>, vector<128x128xf32>
    %dot_general3A_371 = arith.constant dense<0.000000e+00> : vector<32x128xf32>
    %dot_general3A_372 = tpu.matmul %add3A_367, %get3A_370, %dot_general3A_371 {dimension_numbers = #tpu.dot_dimension_numbers<[1], [0], [0], [1], [0, 0, 1, 1], [], []>, transpose_lhs_hint = false} : vector<32x128xf32>, vector<128x128xf32>, vector<32x128xf32> -> vector<32x128xf32>
    %max3A_373 = arith.constant 0.000000e+00 : f32
    %max3A_374 = vector.broadcast %max3A_373 : f32 to vector<32x128xf32>
    %max3A_375 = arith.maximumf %dot_general3A_372, %max3A_374 : vector<32x128xf32>
    %get3A_376 = arith.constant 0 : index
    %get3A_377 = arith.constant 0 : index
    %get3A_378 = vector.load %arg23[%get3A_376, %get3A_377] : memref<128x128xf32, #tpu.memory_space<vmem>>, vector<128x128xf32>
    %dot_general3A_379 = arith.constant dense<0.000000e+00> : vector<32x128xf32>
    %dot_general3A_380 = tpu.matmul %max3A_375, %get3A_378, %dot_general3A_379 {dimension_numbers = #tpu.dot_dimension_numbers<[1], [0], [0], [1], [0, 0, 1, 1], [], []>, transpose_lhs_hint = false} : vector<32x128xf32>, vector<128x128xf32>, vector<32x128xf32> -> vector<32x128xf32>
    %max3A_381 = arith.constant 0.000000e+00 : f32
    %max3A_382 = vector.broadcast %max3A_381 : f32 to vector<32x128xf32>
    %max3A_383 = arith.maximumf %dot_general3A_380, %max3A_382 : vector<32x128xf32>
    %get3A_384 = arith.constant 0 : index
    %get3A_385 = arith.constant 0 : index
    %get3A_386 = vector.load %arg24[%get3A_384, %get3A_385] : memref<128x128xf32, #tpu.memory_space<vmem>>, vector<128x128xf32>
    %dot_general3A_387 = arith.constant dense<0.000000e+00> : vector<32x128xf32>
    %dot_general3A_388 = tpu.matmul %max3A_383, %get3A_386, %dot_general3A_387 {dimension_numbers = #tpu.dot_dimension_numbers<[1], [0], [0], [1], [0, 0, 1, 1], [], []>, transpose_lhs_hint = false} : vector<32x128xf32>, vector<128x128xf32>, vector<32x128xf32> -> vector<32x128xf32>
    %add3A_389 = arith.addf %add3A_367, %dot_general3A_388 : vector<32x128xf32>
    %swap3A_390 = arith.constant 0 : index
    %swap3A_391 = arith.constant 0 : index
    %swap3A_392 = vector.load %arg25[%swap3A_390, %swap3A_391] : memref<32x128xf32, #tpu.memory_space<vmem>>, vector<32x128xf32>
    tpu.vector_store %arg25[%swap3A_390, %swap3A_391], %add3A_389 {strides = array<i32>} : memref<32x128xf32, #tpu.memory_space<vmem>>, vector<32x128xf32>,
    return
  }
  func.func @transform_0(%arg0: i32) -> (i32, i32) {
    %c0_i32 = arith.constant 0 : i32
    %c0_i32_0 = arith.constant 0 : i32
    return %arg0, %c0_i32 : i32, i32
  }
  func.func @transform_1(%arg0: i32) -> (i32, i32) {
    %c0_i32 = arith.constant 0 : i32
    %c0_i32_0 = arith.constant 0 : i32
    return %arg0, %c0_i32 : i32, i32
  }
  func.func @transform_2(%arg0: i32) -> (i32, i32) {
    %c0_i32 = arith.constant 0 : i32
    %c0_i32_0 = arith.constant 0 : i32
    return %arg0, %c0_i32 : i32, i32
  }
  func.func @transform_3(%arg0: i32) -> (i32, i32) {
    %c0_i32 = arith.constant 0 : i32
    %c0_i32_0 = arith.constant 0 : i32
    return %arg0, %c0_i32 : i32, i32
  }
  func.func @transform_4(%arg0: i32) -> (i32, i32) {
    %c0_i32 = arith.constant 0 : i32
    %c0_i32_0 = arith.constant 0 : i32
    return %arg0, %c0_i32 : i32, i32
  }
  func.func @transform_5(%arg0: i32) -> (i32, i32) {
    %c0_i32 = arith.constant 0 : i32
    %c0_i32_0 = arith.constant 0 : i32
    return %arg0, %c0_i32 : i32, i32
  }
  func.func @transform_6(%arg0: i32) -> (i32, i32) {
    %c0_i32 = arith.constant 0 : i32
    %c0_i32_0 = arith.constant 0 : i32
    %c0_i32_1 = arith.constant 0 : i32
    return %c0_i32, %c0_i32_0 : i32, i32
  }
  func.func @transform_7(%arg0: i32) -> (i32, i32) {
    %c0_i32 = arith.constant 0 : i32
    %c0_i32_0 = arith.constant 0 : i32
    %c0_i32_1 = arith.constant 0 : i32
    return %c0_i32, %c0_i32_0 : i32, i32
  }
  func.func @transform_8(%arg0: i32) -> (i32, i32) {
    %c0_i32 = arith.constant 0 : i32
    %c0_i32_0 = arith.constant 0 : i32
    %c0_i32_1 = arith.constant 0 : i32
    return %c0_i32, %c0_i32_0 : i32, i32
  }
  func.func @transform_9(%arg0: i32) -> (i32, i32) {
    %c0_i32 = arith.constant 0 : i32
    %c0_i32_0 = arith.constant 0 : i32
    %c0_i32_1 = arith.constant 0 : i32
    return %c0_i32, %c0_i32_0 : i32, i32
  }
  func.func @transform_10(%arg0: i32) -> (i32, i32) {
    %c0_i32 = arith.constant 0 : i32
    %c0_i32_0 = arith.constant 0 : i32
    %c0_i32_1 = arith.constant 0 : i32
    return %c0_i32, %c0_i32_0 : i32, i32
  }
  func.func @transform_11(%arg0: i32) -> (i32, i32) {
    %c0_i32 = arith.constant 0 : i32
    %c0_i32_0 = arith.constant 0 : i32
    %c0_i32_1 = arith.constant 0 : i32
    return %c0_i32, %c0_i32_0 : i32, i32
  }
  func.func @transform_12(%arg0: i32) -> (i32, i32) {
    %c0_i32 = arith.constant 0 : i32
    %c0_i32_0 = arith.constant 0 : i32
    %c0_i32_1 = arith.constant 0 : i32
    return %c0_i32, %c0_i32_0 : i32, i32
  }
  func.func @transform_13(%arg0: i32) -> (i32, i32) {
    %c0_i32 = arith.constant 0 : i32
    %c0_i32_0 = arith.constant 0 : i32
    %c0_i32_1 = arith.constant 0 : i32
    return %c0_i32, %c0_i32_0 : i32, i32
  }
  func.func @transform_14(%arg0: i32) -> (i32, i32) {
    %c0_i32 = arith.constant 0 : i32
    %c0_i32_0 = arith.constant 0 : i32
    %c0_i32_1 = arith.constant 0 : i32
    return %c0_i32, %c0_i32_0 : i32, i32
  }
  func.func @transform_15(%arg0: i32) -> (i32, i32) {
    %c0_i32 = arith.constant 0 : i32
    %c0_i32_0 = arith.constant 0 : i32
    %c0_i32_1 = arith.constant 0 : i32
    return %c0_i32, %c0_i32_0 : i32, i32
  }
  func.func @transform_16(%arg0: i32) -> (i32, i32) {
    %c0_i32 = arith.constant 0 : i32
    %c0_i32_0 = arith.constant 0 : i32
    %c0_i32_1 = arith.constant 0 : i32
    return %c0_i32, %c0_i32_0 : i32, i32
  }
  func.func @transform_17(%arg0: i32) -> (i32, i32) {
    %c0_i32 = arith.constant 0 : i32
    %c0_i32_0 = arith.constant 0 : i32
    %c0_i32_1 = arith.constant 0 : i32
    return %c0_i32, %c0_i32_0 : i32, i32
  }
  func.func @transform_18(%arg0: i32) -> (i32, i32) {
    %c0_i32 = arith.constant 0 : i32
    %c0_i32_0 = arith.constant 0 : i32
    %c0_i32_1 = arith.constant 0 : i32
    return %c0_i32, %c0_i32_0 : i32, i32
  }
  func.func @transform_19(%arg0: i32) -> (i32, i32) {
    %c0_i32 = arith.constant 0 : i32
    %c0_i32_0 = arith.constant 0 : i32
    %c0_i32_1 = arith.constant 0 : i32
    return %c0_i32, %c0_i32_0 : i32, i32
  }
  func.func @transform_20(%arg0: i32) -> (i32, i32) {
    %c0_i32 = arith.constant 0 : i32
    %c0_i32_0 = arith.constant 0 : i32
    %c0_i32_1 = arith.constant 0 : i32
    return %c0_i32, %c0_i32_0 : i32, i32
  }
  func.func @transform_21(%arg0: i32) -> (i32, i32) {
    %c0_i32 = arith.constant 0 : i32
    %c0_i32_0 = arith.constant 0 : i32
    %c0_i32_1 = arith.constant 0 : i32
    return %c0_i32, %c0_i32_0 : i32, i32
  }
  func.func @transform_22(%arg0: i32) -> (i32, i32) {
    %c0_i32 = arith.constant 0 : i32
    %c0_i32_0 = arith.constant 0 : i32
    %c0_i32_1 = arith.constant 0 : i32
    return %c0_i32, %c0_i32_0 : i32, i32
  }
  func.func @transform_23(%arg0: i32) -> (i32, i32) {
    %c0_i32 = arith.constant 0 : i32
    %c0_i32_0 = arith.constant 0 : i32
    %c0_i32_1 = arith.constant 0 : i32
    return %c0_i32, %c0_i32_0 : i32, i32
  }
  func.func @transform_24(%arg0: i32) -> (i32, i32) {
    %c0_i32 = arith.constant 0 : i32
    %c0_i32_0 = arith.constant 0 : i32
    return %arg0, %c0_i32 : i32, i32
  }
  func.func @transform_25(%arg0: i32) -> (i32, i32) {
    %c0_i32 = arith.constant 0 : i32
    %c0_i32_0 = arith.constant 0 : i32
    return %arg0, %c0_i32 : i32, i32
  }
}

</mosaic_0001>

<sc_bundles>
// kernel: gather_offload_async_start
scs
__scs_entry_jumppad:
0x0: {  	(pc) =	sbr.rel $0x88, $3  }
0x1: {  	(tag) =	ssettag $0x0;
	lr =	simm.s32 $0x1  }
0x2: {  	[smem:$0x3F8D] =	sst lr;
	_ =	strace $0xD0000000  }
0x3: {  	_ = 	snop  }
0x4: {  	_ = 	snop  }
0x5: {  	_ = 	snop  }
0x6: {  	_ = 	snop  }
0x7: {  	_ = 	snop  }
__scs_overlays_trampoline_lowered:
0x8: {  	[smem:$0x3F9C] =	sst s0  }
0x9: {  	[smem:$0x3F9D] =	sst s1  }
0xa: {  	[smem:$0x3F9E] =	sst s2  }
0xb: {  	[smem:$0x3F9F] =	sst s3  }
0xc: {  	[smem:$0x3FA0] =	sst s4  }
0xd: {  	[smem:$0x3FA1] =	sst s5  }
0xe: {  	[smem:$0x3FA2] =	sst s6  }
0xf: {  	[smem:$0x3FA3] =	sst s7  }
0x10: {  	[smem:$0x3FA4] =	sst s8  }
0x11: {  	[smem:$0x3FA5] =	sst s9;
	s0 =	simm.s32 @!p0 $0x0  }
0x12: {  	s1 =	sld [smem:$0x3F8B];
	s0 =	simm.s32 @p0 $0x1  }
0x13: {  	[smem:$0x3FA6] =	sst s0;
	s0 =	simm.s32 @!p1 $0x0  }
0x14: {  	s2 =	sld [smem:$0x3F8A];
	s0 =	simm.s32 @p1 $0x1  }
0x15: {  	[smem:$0x3FA7] =	sst s0;
	s0 =	simm.s32 @!p2 $0x0  }
0x16: {  	s3 =	sld [smem:$0x3FDB];
	s0 =	simm.s32 @p2 $0x1  }
0x17: {  	s4 =	simm.s32 $0x1BF5;
	[smem:$0x3FA9] =	sst s0  }
0x18: {  	s0 =	sld [smem:$0x3F8C];
	_ =	swait.ge [sflag:s4], $0x0  }
0x19: {  	s7 =	sld [smem:$0x3F8D]  }
0x1a: {  	s8 =	sadd.s32 $0xFFFFE003, lr  }
0x1b: {  	s9 =	sadd.s32 $0xFFFFFEF7, lr;
	s5 =	simm.s32 $0xFFFFFFFF;
	p2 =	slt.u32 s8, $0xFFFFF086  }
0x1c: {  	p1 =	slt.u32 s9, $0xF7A;
	s5 =	simm.s32 @!p2 $0x0  }
0x1d: {  	s5 =	simm.s32 @p1 $0x1;
	p0 =	seq.s32 s7, s2  }
0x1e: {  	s7 =	smul.u32 @!p0 $0xF7A, s2;
	p2 =	seq.s32 @!p0 s5, $0x0  }
0x1f: {  	s9 =	smul.u32 $0xF7A, s1;
	s8 =	simm.s32 @!p0 $0x1BF5;
	p2 =	por !p2, p0  }
0x20: {  	[sflag:s8] =	ssyncset.s32 @!p0 $0xFFFFF086;
	s6 =	sadd.s32 @!p0 s3, s7;
	s7 =	simm.s32 @!p0 $0x108  }
0x21: {  	s3 =	sadd.s32 s3, s9;
	s6 =	sadd.s32 @!p0 $0x88, s6;
	s7 =	simm.s32 @p2 $0x1082  }
0x22: {  	[simem:s7], [sflag:s8] =	dma.local @!p0 [hbm:s6], $0xF7A  }
0x23: {  	s9 =	sor.u32 $0xD0000000, s2;
	s6 =	simm.s32 $0x108;
	_ =	swait.ge @!p0 [sflag:s8], $0x0  }
0x24: {  	s3 =	sadd.s32 $0x88, s3;
	s6 =	simm.s32 @!p1 $0x1082;
	[sflag:s4] =	ssyncset.s32 $0xFFFFF086  }
0x25: {  	[simem:s6], [sflag:s4] =	dma.local [hbm:s3], $0xF7A  }
0x26: {  	[smem:$0x3F8D] =	sst s1;
	(tag) =	ssettag s2;
	_ =	strace s9  }
0x27: {  	s1 =	sld [smem:$0x3F9D]  }
0x28: {  	s2 =	sld [smem:$0x3F9E]  }
0x29: {  	s4 =	sld [smem:$0x3FA0]  }
0x2a: {  	p0 =	seq.s32 s5, $0x0;
	s5 =	sld [smem:$0x3FA1]  }
0x2b: {  	s6 =	sld [smem:$0x3FA2]  }
0x2c: {  	s7 =	sld [smem:$0x3FA3]  }
0x2d: {  	s3 =	simm.s32 $0x108;
	s8 =	sld [smem:$0x3FA4]  }
0x2e: {  	s3 =	simm.s32 @!p0 $0x1082;
	s9 =	sld [smem:$0x3FA5]  }
0x2f: {  	lr =	sadd.s32 s0, s3;
	s0 =	sld [smem:$0x3F9C]  }
0x30: {  	s3 =	sld [smem:$0x3F9F]  }
0x31: {  	[smem:$0x3FA8] =	sst s10  }
0x32: {  	s10 =	sld [smem:$0x3FA6];
	_ =	sdelay $0x3  }
0x33: {  	p0 =	seq.s32 s10, $0x1;
	s10 =	sld [smem:$0x3FA8];
	_ =	sdelay $0x3  }
0x34: {  	[smem:$0x3FA8] =	sst s10  }
0x35: {  	s10 =	sld [smem:$0x3FA7];
	_ =	sdelay $0x3  }
0x36: {  	p1 =	seq.s32 s10, $0x1;
	s10 =	sld [smem:$0x3FA8];
	_ =	sdelay $0x3  }
0x37: {  	[smem:$0x3FA8] =	sst s10  }
0x38: {  	s10 =	sld [smem:$0x3FA9]  }
0x39: {  	_ = 	snop;
	(pc) =	sbr.ind lr, $3  }
0x3a: {  	_ = 	snop  }
0x3b: {  	_ = 	snop  }
0x3c: {  	p2 =	seq.s32 s10, $0x1;
	s10 =	sld [smem:$0x3FA8]  }
0x3d: {  	_ =	shalt  }
0x3e: {  	_ =	shalt  }
0x3f: {  	_ =	shalt  }
0x40: {  	_ =	shalt  }
0x41: {  	_ =	shalt  }
0x42: {  	_ =	shalt  }
0x43: {  	_ =	shalt  }
0x44: {  	_ =	shalt  }
0x45: {  	_ =	shalt  }
0x46: {  	_ =	shalt  }
0x47: {  	_ =	shalt  }
0x48: {  	_ =	shalt  }
0x49: {  	_ =	shalt  }
0x4a: {  	_ =	shalt  }
0x4b: {  	_ =	shalt  }
0x4c: {  	_ =	shalt  }
0x4d: {  	_ =	shalt  }
0x4e: {  	_ =	shalt  }
0x4f: {  	_ =	shalt  }
0x50: {  	_ =	shalt  }
0x51: {  	_ =	shalt  }
0x52: {  	_ =	shalt  }
0x53: {  	_ =	shalt  }
0x54: {  	_ =	shalt  }
0x55: {  	_ =	shalt  }
0x56: {  	_ =	shalt  }
0x57: {  	_ =	shalt  }
0x58: {  	_ =	shalt  }
0x59: {  	_ =	shalt  }
0x5a: {  	_ =	shalt  }
0x5b: {  	_ =	shalt  }
0x5c: {  	_ =	shalt  }
0x5d: {  	_ =	shalt  }
0x5e: {  	_ =	shalt  }
0x5f: {  	_ =	shalt  }
0x60: {  	_ =	shalt  }
0x61: {  	_ =	shalt  }
0x62: {  	_ =	shalt  }
0x63: {  	_ =	shalt  }
0x64: {  	_ =	shalt  }
0x65: {  	_ =	shalt  }
0x66: {  	_ =	shalt  }
0x67: {  	_ =	shalt  }
0x68: {  	_ =	shalt  }
0x69: {  	_ =	shalt  }
0x6a: {  	_ =	shalt  }
0x6b: {  	_ =	shalt  }
0x6c: {  	_ =	shalt  }
0x6d: {  	_ =	shalt  }
0x6e: {  	_ =	shalt  }
0x6f: {  	_ =	shalt  }
0x70: {  	_ =	shalt  }
0x71: {  	_ =	shalt  }
0x72: {  	_ =	shalt  }
0x73: {  	_ =	shalt  }
0x74: {  	_ =	shalt  }
0x75: {  	_ =	shalt  }
0x76: {  	_ =	shalt  }
0x77: {  	_ =	shalt  }
0x78: {  	_ =	shalt  }
0x79: {  	_ =	shalt  }
0x7a: {  	_ =	shalt  }
0x7b: {  	_ =	shalt  }
0x7c: {  	_ =	shalt  }
0x7d: {  	_ =	shalt  }
0x7e: {  	_ =	shalt  }
0x7f: {  	_ =	shalt  }
0x80: {  	_ =	shalt  }
0x81: {  	_ =	shalt  }
0x82: {  	_ =	shalt  }
0x83: {  	_ =	shalt  }
0x84: {  	_ =	shalt  }
0x85: {  	_ =	shalt  }
0x86: {  	_ =	shalt  }
0x87: {  	_ =	shalt  }
.Lfunc_end0:
.L_simem_size_0:
called_computation.2_lowered:
.L_overlay_start_0:
0x88: {  	s2 =	sld [smem:$0x3FD9]  }
0x89: {  	s3 =	sld [smem:$0x3FFE];
	_ =	sdelay $0x1  }
0x8a: {  	s1 =	srdreg.scid  }
0x8b: {  	s0 =	sand.u32 $0x1, s1  }
0x8c: {  	s14 =	sshll.u32 s0, $0xA;
	s2 =	sadd.s32 s3, s2  }
0x8d: {  	s2 =	sadd.s32 s2, s14  }
0x8e: {  	[smem:$0x3FB4] =	sst s2  }
0x8f: {  	_ = 	snop  }
0x90: {  	s2 =	sld [smem:$0x3FD0];
	_ =	sdelay $0x2  }
0x91: {  	s15 =	simm.s32 $0xB;
	s4 =	simm.s32 $0x10  }
0x92: {  	[smem:s4], [sflag:s15] =	dma.local [hbm:s2], $0x1  }
0x93: {  	_ =	swait.eq [sflag:s15], $0x1  }
0x94: {  	[sflag:s15] =	ssyncset.done $0x0  }
0x95: {  	s16 =	sld [smem:$0x10];
	[sflag:s15] =	ssyncadd.s32 $0xFFFFFFFF  }
0x96: {  	s17 =	sld [smem:$0x11];
	(tm) =	ssettm $0x1  }
0x97: {  	s18 =	sld [smem:$0x3FFB];
	_ =	sdelay $0x3  }
0x98: {  	_ =	strace s18  }
0x99: {  	s4 =	sld [smem:$0x3FFC];
	_ =	sdelay $0x3  }
0x9a: {  	_ =	strace s4  }
0x9b: {  	s4 =	sld [smem:$0x3FFD];
	_ =	sdelay $0x3  }
0x9c: {  	_ =	strace s4  }
0x9d: {  	_ =	strace $0x8FFFFFFF  }
0x9e: {  	s19 =	sld [smem:$0x3FDB];
	_ =	sdelay $0x1  }
0x9f: {  	s5 =	simm.s32 $_scs_section_size  }
0xa0: {  	s6 =	simm.s32 $_size__tile_overlayer_lowered;
	s7 =	simm.s32 $_tile_overlayer_lowered  }
0xa1: {  	s22 =	simm.s32 $0x1BFF;
	s21 =	sshll.u32 s7, $0x1;
	s4 =	sadd.s32 s5, s19  }
0xa2: {  	s8 =	simm.s32 $0x0;
	s20 =	sshll.u32 s6, $0x1;
	s6 =	sadd.s32 s21, s4  }
0xa3: {  	[timem:s8], [sflag:s22] =	dma.local [hbm:s6], s20  }
0xa4: {  	_ =	swait.ge [sflag:s22], s20  }
0xa5: {  	s5 =	ssub.s32 $0x0, s20;
	[sflag:s22] =	ssyncset.done $0x0  }
0xa6: {  	[sflag:s22] =	ssyncadd.s32 s5;
	_ =	sdelay $0x1  }
0xa7: {  	s23 =	simm.s32 $0x1B8B  }
0xa8: {  	_ =	swait.ge [sflag:s23], $0x1  }
0xa9: {  	[sflag:s23] =	ssyncset.done $0x0  }
0xaa: {  	s25 =	simm.s32 $0x1B8E;
	s24 =	sld [smem:$0x3FFE];
	[sflag:s23] =	ssyncadd.s32 $0xFFFFFFFF  }
0xab: {  	s26 =	simm.s32 $execute0_lowered;
	[smem:$0x3FD2] =	sst s25  }
0xac: {  	s6 =	sshll.u32 s26, $0x1;
	_ =	strace $0x8000004F;
	[dreg:$0x1] =	wrdreg $0xFFFFFFFF  }
0xad: {  	s28 =	simm.s32 $_size_execute0_lowered;
	s4 =	sadd.s32 s4, s6;
	[dreg:$0x0] =	wrdreg $0x0  }
0xae: {  	s6 =	sshll.u32 s28, $0x1;
	[dreg:$0x2] =	wrdreg s4  }
0xaf: {  	[dreg:$0x3] =	wrdreg s6  }
0xb0: {  	[dreg:$0x4] =	wrdreg $0xC0  }
0xb1: {  	_ =	task [dreg:s8], $0x5FFFF  }
0xb2: {  	[dreg:$0x1] =	wrdreg $0xFFFFFFFF  }
0xb3: {  	[dreg:$0x0] =	wrdreg $0x60  }
0xb4: {  	[dreg:$0x2] =	wrdreg s16  }
0xb5: {  	[dreg:$0x3] =	wrdreg s17  }
0xb6: {  	[dreg:$0x4] =	wrdreg s24  }
0xb7: {  	[dreg:$0x5] =	wrdreg $0x9  }
0xb8: {  	_ =	task.clear_ibuf [dreg:s8], $0x6FFFF;
	_ =	strace $0x9000004F  }
0xb9: {  	s29 =	simm.s32 $0x9;
	_ =	strace $0x80000051  }
0xba: {  	_ =	swait.ge [sflag:s29], $0x1  }
0xbb: {  	[sflag:s29] =	ssyncadd.s32 $0xFFFFFFFF  }
0xbc: {  	_ =	strace $0x90000051  }
0xbd: {  	_ =	sfence  }
0xbe: {  	s30 =	sld [smem:$0x0];
	_ =	sdelay $0x2  }
0xbf: {  	s31 =	sshll.u32 s1, $0xD;
	s1 =	sshrl.u32 s1, $0x2  }
0xc0: {  	s3 =	sand.u32 $0x4000, s31;
	s1 =	sadd.s32 s1, s30  }
0xc1: {  	s0 =	sor.u32 s3, s0;
	s1 =	sshll.u32 s1, $0x11  }
0xc2: {  	s0 =	sor.u32 s1, s0  }
0xc3: {  	s0 =	sadd.s32 $0x8F2B, s0  }
0xc4: {  	[sflag:s0] =	ssyncadd.remote.s32 $0x1  }
0xc5: {  	_ =	sfence.sel $0xFFFF  }
0xc6: {  	[dreg:$0x0] =	wrdreg $0xFFFFFFFF;
	(pc) =	sbr.abs _section_cstart, $3  }
0xc7: {  	[dreg:$0x1] =	wrdreg $0xFFFFFFFF  }
0xc8: {  	_ =	task.clear_ibuf [dreg:s8], $0x2FFFF;
	_ =	strace $0x9FFFFFFF  }
0xc9: {  	(tm) =	ssettm $0x7FFFFFFF  }
tec
execute0_lowered:
.L_overlay_start_1:
0x0: {  	(tag) =	ssettag $0x1  }
0x1: {  	s1 =	srdreg.scid  }
0x2: {  	s2 =	rddreg [dreg:$0x0];
	s0 =	stileid.u32;
	s1 =	sshll.u32 s1, $0x5  }
0x3: {  	s3 =	rddreg [dreg:$0x1];
	s5 =	sshll.u32 s0, $0x6;
	s1 =	sand.u32 $0x20, s1  }
0x4: {  	s4 =	rddreg [dreg:$0x2];
	s7 =	simm.s32 $0x1;
	s5 =	sor.u32 s5, s1  }
0x5: {  	s30 =	simm.s32 $0x2;
	s31 =	simm.s32 $0x3;
	s6 =	ssub.s32 $0x800, s5  }
0x6: {  	s11 =	simm.s32 $0x0;
	s9 =	simm.s32 $0x0;
	s8 =	sand.u32 $0x3E0, s6  }
0x7: {  	s1 =	rddreg [dreg:$0x3];
	_ =	strace $0x80000050;
	p0 =	sne.s32 s8, $0x0  }
0x8: {  	[sflag:s7] =	ssyncpa.u1 $0x0;
	s6 =	sshrl.u32 s6, $0xA;
	s7 =	simm.s32 @!p0 $0x0  }
0x9: {  	s10 =	smov.u32 s5;
	[sflag:s30] =	ssyncpa.u1 $0x0;
	s6 =	sadd.s32 s7, s6  }
0xa: {  	[sflag:s31] =	ssyncpa.u1 $0x0;
	s8 =	simm.s32 $0x0;
	s7 =	sadd.s32 $0x1, s6  }
.LBB2_1:
0xb: {  	p0 =	sge.u32 s9, s6  }
0xc: {  	s31 =	sadd.s32 $0xFFFFFFFF, s9;
	s12 =	sxor.u32 @!p0 $0xFFFFFFFF, s8;
	s13 =	sshrl.u32 @!p0 s10, $0x3  }
0xd: {  	s14 =	sand.u32 @!p0 $0x7, s10;
	s12 =	sand.u32 @!p0 $0x20, s12;
	s13 =	sadd.s32 @!p0 s3, s13  }
0xe: {  	[tilespmem:s12], [sflag:$0x2] =	stream.linear.gather @!p0 [hbm4b:s13+s14], $0x20, $0x38;
	[tilespmem:$0x80] =	vst v63  }
0xf: {  	p0 =	sge.u32 s31, s6  }
0x10: {  	s12 =	simm.s32 @!p0 $0x2  }
0x11: {  	_ =	swait.ge @!p0 [sflag:s12], $0x20  }
0x12: {  	[sflag:s12] =	ssyncset.done @!p0 $0x0  }
0x13: {  	[sflag:s12] =	ssyncadd.s32 @!p0 $0xFFFFFFE0;
	s12 =	sand.u32 @!p0 $0x20, s8  }
0x14: {  	(ifvalue) =	ssetifvalue @!p0 $0x7FFFFFFF;
	v0 =	vld.msk @!p0 [tilespmem:s12+$0x0 ss:$0x1], $0xffff;
	_ =	sdelay $0x4  }
0x15: {  	vm0 =	vgt.s32 @!p0 v0, $0x0  }
0x16: {  	v0 =	vnsel @!p0 vm0, $0x0, v0  }
0x17: {  	v0 =	vmin.u32 @!p0 v0, $0x7FF;
	_ =	sdelay $0x2  }
0x18: {  	s14 =	simm.s32 @!p0 $0x0  }
0x19: {  	s13 =	sor.u32 @!p0 $0x40, s12;
	(ifvalue) =	ssetifvalue @!p0 $0x7FFFFFFF;
	s15 =	sor.u32 @!p0 $0x10, s12;
	vm0 =	vmmov @!p0 $0xffff  }
0x1a: {  	[tilespmem:s13], [sflag:$0x1] =	stream.indirect_vreg.gather @!p0 [hbm4b:s2+s14], $0x1, v0, vm0, $0x4038;
	[tilespmem:$0x80] =	vst v63  }
0x1b: {  	v0 =	vld.msk @!p0 [tilespmem:s15+$0x0 ss:$0x1], $0xffff;
	_ =	sdelay $0x4  }
0x1c: {  	vm1 =	vgt.s32 @!p0 v0, $0x0  }
0x1d: {  	v0 =	vnsel @!p0 vm1, $0x0, v0  }
0x1e: {  	v0 =	vmin.u32 @!p0 v0, $0x7FF;
	_ =	sdelay $0x3  }
0x1f: {  	s12 =	sor.u32 @!p0 $0x50, s12;
	(ifvalue) =	ssetifvalue @!p0 $0x7FFFFFFF  }
0x20: {  	[tilespmem:s12], [sflag:$0x1] =	stream.indirect_vreg.gather @!p0 [hbm4b:s2+s14], $0x1, v0, vm0, $0x4038;
	[tilespmem:$0x80] =	vst v63  }
0x21: {  	s12 =	simm.s32 @!p0 $0x1  }
0x22: {  	_ =	swait.ge @!p0 [sflag:s12], $0x20  }
0x23: {  	s14 =	sshrl.u32 @!p0 s11, $0x3;
	[sflag:s12] =	ssyncset.done @!p0 $0x0  }
0x24: {  	s11 =	sand.u32 @!p0 $0x7, s11;
	[sflag:s12] =	ssyncadd.s32 @!p0 $0xFFFFFFE0;
	s12 =	sadd.s32 @!p0 s4, s14  }
0x25: {  	[hbm4b:s12+s11] =	stream.linear.scatter @!p0 [tilespmem:s13], [sflag:$0x3], $0x20, $0x38;
	[tilespmem:$0x80] =	vst v63  }
0x26: {  	s13 =	sadd.s32 $0x400, s10  }
0x27: {  	p1 =	sgt.s32 s13, $0x7FF  }
0x28: {  	s13 =	smov.u32 @p1 s5;
	p1 =	sne.s32 s9, s7  }
.Ltmp0:
0x29: {  	p0 =	slt.u32 s9, $0x2;
	(pc) =	sbr.rel @p1 .LBB2_1-.Ltmp0, $4  }
0x2a: {  	s12 =	simm.s32 @!p0 $0x3  }
0x2b: {  	_ =	swait.ge @!p0 [sflag:s12], $0x20  }
0x2c: {  	s8 =	sadd.s32 $0x20, s8;
	s11 =	smov.u32 s10;
	[sflag:s12] =	ssyncset.done @!p0 $0x0  }
0x2d: {  	s9 =	sadd.s32 $0x1, s9;
	s10 =	smov.u32 s13;
	[sflag:s12] =	ssyncadd.s32 @!p0 $0xFFFFFFE0  }
0x2e: {  	_ =	sfence.sel $0x180000  }
0x2f: {  	s2 =	simm.s32 $0x2;
	[bflag:$0x0] =	sbarrier.arrive $0xFFFF  }
0x30: {  	s30 =	simm.s32 $0x3;
	[sflag:s2] =	ssyncpa.u1 $0x1  }
0x31: {  	s31 =	simm.s32 $0x1;
	[sflag:s30] =	ssyncpa.u1 $0x1  }
0x32: {  	[sflag:s31] =	ssyncpa.u1 $0x1  }
0x33: {  	p0 =	sne.s32 s0, $0x0;
	_ =	strace $0x90000050  }
0x34: {  	s0 =	sadd.s32 @!p0 $0x100000, s1;
	[bflag:$0x2] =	sbarrier.arrive $0xFFFF  }
0x35: {  	[sflag:s0] =	ssyncadd.tile.s32 @!p0 $0x1;
	_ =	shalt  }
.Lfunc_end2:
_tile_overlayer_lowered:
.L_overlay_start_2:
0x36: {  	(tag) =	ssettag $0x2  }
0x37: {  	s0 =	rddreg [dreg:$0x0];
	s2 =	stileid.u32  }
0x38: {  	s1 =	rddreg [dreg:$0x1];
	p0 =	sne.s32 s2, $0x0  }
0x39: {  	s3 =	rddreg [dreg:$0x2];
	[bflag:$0x3] =	sbarrier.arrive $0xFFFF;
	s2 =	simm.s32 @!p0 $0x1C01  }
0x3a: {  	[timem:s3], [sflag:s2] =	dma.local @!p0 [hbm:s0], s1  }
0x3b: {  	s0 =	simm.s32 @!p0 $0x1  }
0x3c: {  	_ =	swait.ge @!p0 [sflag:s0], s1  }
0x3d: {  	s1 =	ssub.s32 @!p0 $0x0, s1;
	[sflag:s0] =	ssyncset.done @!p0 $0x0  }
0x3e: {  	[sflag:s0] =	ssyncadd.s32 @!p0 s1  }
0x3f: {  	[bflag:$0x3] =	sbarrier.arrive $0xFFFF  }
0x40: {  	_ =	shalt  }

// kernel: scatter_offload_async_start.1
scs
__scs_entry_jumppad:
0x0: {  	(pc) =	sbr.rel $0x88, $3  }
0x1: {  	(tag) =	ssettag $0x0;
	lr =	simm.s32 $0x1  }
0x2: {  	[smem:$0x3F8D] =	sst lr;
	_ =	strace $0xD0000000  }
0x3: {  	_ = 	snop  }
0x4: {  	_ = 	snop  }
0x5: {  	_ = 	snop  }
0x6: {  	_ = 	snop  }
0x7: {  	_ = 	snop  }
__scs_overlays_trampoline_lowered:
0x8: {  	[smem:$0x3F9C] =	sst s0  }
0x9: {  	[smem:$0x3F9D] =	sst s1  }
0xa: {  	[smem:$0x3F9E] =	sst s2  }
0xb: {  	[smem:$0x3F9F] =	sst s3  }
0xc: {  	[smem:$0x3FA0] =	sst s4  }
0xd: {  	[smem:$0x3FA1] =	sst s5  }
0xe: {  	[smem:$0x3FA2] =	sst s6  }
0xf: {  	[smem:$0x3FA3] =	sst s7  }
0x10: {  	[smem:$0x3FA4] =	sst s8  }
0x11: {  	[smem:$0x3FA5] =	sst s9;
	s0 =	simm.s32 @!p0 $0x0  }
0x12: {  	s1 =	sld [smem:$0x3F8B];
	s0 =	simm.s32 @p0 $0x1  }
0x13: {  	[smem:$0x3FA6] =	sst s0;
	s0 =	simm.s32 @!p1 $0x0  }
0x14: {  	s2 =	sld [smem:$0x3F8A];
	s0 =	simm.s32 @p1 $0x1  }
0x15: {  	[smem:$0x3FA7] =	sst s0;
	s0 =	simm.s32 @!p2 $0x0  }
0x16: {  	s3 =	sld [smem:$0x3FDB];
	s0 =	simm.s32 @p2 $0x1  }
0x17: {  	s4 =	simm.s32 $0x1BF5;
	[smem:$0x3FA9] =	sst s0  }
0x18: {  	s0 =	sld [smem:$0x3F8C];
	_ =	swait.ge [sflag:s4], $0x0  }
0x19: {  	s7 =	sld [smem:$0x3F8D]  }
0x1a: {  	s8 =	sadd.s32 $0xFFFFE003, lr  }
0x1b: {  	s9 =	sadd.s32 $0xFFFFFEF7, lr;
	s5 =	simm.s32 $0xFFFFFFFF;
	p2 =	slt.u32 s8, $0xFFFFF086  }
0x1c: {  	p1 =	slt.u32 s9, $0xF7A;
	s5 =	simm.s32 @!p2 $0x0  }
0x1d: {  	s5 =	simm.s32 @p1 $0x1;
	p0 =	seq.s32 s7, s2  }
0x1e: {  	s7 =	smul.u32 @!p0 $0xF7A, s2;
	p2 =	seq.s32 @!p0 s5, $0x0  }
0x1f: {  	s9 =	smul.u32 $0xF7A, s1;
	s8 =	simm.s32 @!p0 $0x1BF5;
	p2 =	por !p2, p0  }
0x20: {  	[sflag:s8] =	ssyncset.s32 @!p0 $0xFFFFF086;
	s6 =	sadd.s32 @!p0 s3, s7;
	s7 =	simm.s32 @!p0 $0x108  }
0x21: {  	s3 =	sadd.s32 s3, s9;
	s6 =	sadd.s32 @!p0 $0x88, s6;
	s7 =	simm.s32 @p2 $0x1082  }
0x22: {  	[simem:s7], [sflag:s8] =	dma.local @!p0 [hbm:s6], $0xF7A  }
0x23: {  	s9 =	sor.u32 $0xD0000000, s2;
	s6 =	simm.s32 $0x108;
	_ =	swait.ge @!p0 [sflag:s8], $0x0  }
0x24: {  	s3 =	sadd.s32 $0x88, s3;
	s6 =	simm.s32 @!p1 $0x1082;
	[sflag:s4] =	ssyncset.s32 $0xFFFFF086  }
0x25: {  	[simem:s6], [sflag:s4] =	dma.local [hbm:s3], $0xF7A  }
0x26: {  	[smem:$0x3F8D] =	sst s1;
	(tag) =	ssettag s2;
	_ =	strace s9  }
0x27: {  	s1 =	sld [smem:$0x3F9D]  }
0x28: {  	s2 =	sld [smem:$0x3F9E]  }
0x29: {  	s4 =	sld [smem:$0x3FA0]  }
0x2a: {  	p0 =	seq.s32 s5, $0x0;
	s5 =	sld [smem:$0x3FA1]  }
0x2b: {  	s6 =	sld [smem:$0x3FA2]  }
0x2c: {  	s7 =	sld [smem:$0x3FA3]  }
0x2d: {  	s3 =	simm.s32 $0x108;
	s8 =	sld [smem:$0x3FA4]  }
0x2e: {  	s3 =	simm.s32 @!p0 $0x1082;
	s9 =	sld [smem:$0x3FA5]  }
0x2f: {  	lr =	sadd.s32 s0, s3;
	s0 =	sld [smem:$0x3F9C]  }
0x30: {  	s3 =	sld [smem:$0x3F9F]  }
0x31: {  	[smem:$0x3FA8] =	sst s10  }
0x32: {  	s10 =	sld [smem:$0x3FA6];
	_ =	sdelay $0x3  }
0x33: {  	p0 =	seq.s32 s10, $0x1;
	s10 =	sld [smem:$0x3FA8];
	_ =	sdelay $0x3  }
0x34: {  	[smem:$0x3FA8] =	sst s10  }
0x35: {  	s10 =	sld [smem:$0x3FA7];
	_ =	sdelay $0x3  }
0x36: {  	p1 =	seq.s32 s10, $0x1;
	s10 =	sld [smem:$0x3FA8];
	_ =	sdelay $0x3  }
0x37: {  	[smem:$0x3FA8] =	sst s10  }
0x38: {  	s10 =	sld [smem:$0x3FA9]  }
0x39: {  	_ = 	snop;
	(pc) =	sbr.ind lr, $3  }
0x3a: {  	_ = 	snop  }
0x3b: {  	_ = 	snop  }
0x3c: {  	p2 =	seq.s32 s10, $0x1;
	s10 =	sld [smem:$0x3FA8]  }
0x3d: {  	_ =	shalt  }
0x3e: {  	_ =	shalt  }
0x3f: {  	_ =	shalt  }
0x40: {  	_ =	shalt  }
0x41: {  	_ =	shalt  }
0x42: {  	_ =	shalt  }
0x43: {  	_ =	shalt  }
0x44: {  	_ =	shalt  }
0x45: {  	_ =	shalt  }
0x46: {  	_ =	shalt  }
0x47: {  	_ =	shalt  }
0x48: {  	_ =	shalt  }
0x49: {  	_ =	shalt  }
0x4a: {  	_ =	shalt  }
0x4b: {  	_ =	shalt  }
0x4c: {  	_ =	shalt  }
0x4d: {  	_ =	shalt  }
0x4e: {  	_ =	shalt  }
0x4f: {  	_ =	shalt  }
0x50: {  	_ =	shalt  }
0x51: {  	_ =	shalt  }
0x52: {  	_ =	shalt  }
0x53: {  	_ =	shalt  }
0x54: {  	_ =	shalt  }
0x55: {  	_ =	shalt  }
0x56: {  	_ =	shalt  }
0x57: {  	_ =	shalt  }
0x58: {  	_ =	shalt  }
0x59: {  	_ =	shalt  }
0x5a: {  	_ =	shalt  }
0x5b: {  	_ =	shalt  }
0x5c: {  	_ =	shalt  }
0x5d: {  	_ =	shalt  }
0x5e: {  	_ =	shalt  }
0x5f: {  	_ =	shalt  }
0x60: {  	_ =	shalt  }
0x61: {  	_ =	shalt  }
0x62: {  	_ =	shalt  }
0x63: {  	_ =	shalt  }
0x64: {  	_ =	shalt  }
0x65: {  	_ =	shalt  }
0x66: {  	_ =	shalt  }
0x67: {  	_ =	shalt  }
0x68: {  	_ =	shalt  }
0x69: {  	_ =	shalt  }
0x6a: {  	_ =	shalt  }
0x6b: {  	_ =	shalt  }
0x6c: {  	_ =	shalt  }
0x6d: {  	_ =	shalt  }
0x6e: {  	_ =	shalt  }
0x6f: {  	_ =	shalt  }
0x70: {  	_ =	shalt  }
0x71: {  	_ =	shalt  }
0x72: {  	_ =	shalt  }
0x73: {  	_ =	shalt  }
0x74: {  	_ =	shalt  }
0x75: {  	_ =	shalt  }
0x76: {  	_ =	shalt  }
0x77: {  	_ =	shalt  }
0x78: {  	_ =	shalt  }
0x79: {  	_ =	shalt  }
0x7a: {  	_ =	shalt  }
0x7b: {  	_ =	shalt  }
0x7c: {  	_ =	shalt  }
0x7d: {  	_ =	shalt  }
0x7e: {  	_ =	shalt  }
0x7f: {  	_ =	shalt  }
0x80: {  	_ =	shalt  }
0x81: {  	_ =	shalt  }
0x82: {  	_ =	shalt  }
0x83: {  	_ =	shalt  }
0x84: {  	_ =	shalt  }
0x85: {  	_ =	shalt  }
0x86: {  	_ =	shalt  }
0x87: {  	_ =	shalt  }
.Lfunc_end0:
.L_simem_size_0:
called_computation.1_lowered:
.L_overlay_start_0:
0x88: {  	s0 =	sld [smem:$0x3FD9]  }
0x89: {  	s1 =	sld [smem:$0x3FFE];
	_ =	sdelay $0x3  }
0x8a: {  	s0 =	sadd.s32 s1, s0  }
0x8b: {  	[smem:$0x3FB4] =	sst s0  }
0x8c: {  	_ = 	snop  }
0x8d: {  	s0 =	sld [smem:$0x3FD0];
	_ =	sdelay $0x2  }
0x8e: {  	s13 =	simm.s32 $0xB;
	s2 =	simm.s32 $0x10  }
0x8f: {  	[smem:s2], [sflag:s13] =	dma.local [hbm:s0], $0x1  }
0x90: {  	_ =	swait.eq [sflag:s13], $0x1  }
0x91: {  	[sflag:s13] =	ssyncset.done $0x0  }
0x92: {  	s14 =	sld [smem:$0x10];
	[sflag:s13] =	ssyncadd.s32 $0xFFFFFFFF  }
0x93: {  	s15 =	sld [smem:$0x11];
	(tm) =	ssettm $0x1  }
0x94: {  	s16 =	sld [smem:$0x3FFB];
	_ =	sdelay $0x3  }
0x95: {  	_ =	strace s16  }
0x96: {  	s2 =	sld [smem:$0x3FFC];
	_ =	sdelay $0x3  }
0x97: {  	_ =	strace s2  }
0x98: {  	s2 =	sld [smem:$0x3FFD];
	_ =	sdelay $0x3  }
0x99: {  	_ =	strace s2  }
0x9a: {  	_ =	strace $0x8FFFFFFF  }
0x9b: {  	s17 =	sld [smem:$0x3FDB];
	_ =	sdelay $0x1  }
0x9c: {  	s3 =	simm.s32 $_scs_section_size  }
0x9d: {  	s4 =	simm.s32 $_size__tile_overlayer_lowered;
	s5 =	simm.s32 $_tile_overlayer_lowered  }
0x9e: {  	s20 =	simm.s32 $0x1BFF;
	s19 =	sshll.u32 s5, $0x1;
	s2 =	sadd.s32 s3, s17  }
0x9f: {  	s6 =	simm.s32 $0x0;
	s18 =	sshll.u32 s4, $0x1;
	s4 =	sadd.s32 s19, s2  }
0xa0: {  	[timem:s6], [sflag:s20] =	dma.local [hbm:s4], s18  }
0xa1: {  	_ =	swait.ge [sflag:s20], s18  }
0xa2: {  	s3 =	ssub.s32 $0x0, s18;
	[sflag:s20] =	ssyncset.done $0x0  }
0xa3: {  	[sflag:s20] =	ssyncadd.s32 s3;
	_ =	sdelay $0x1  }
0xa4: {  	s21 =	simm.s32 $0x1B8B  }
0xa5: {  	_ =	swait.ge [sflag:s21], $0x1  }
0xa6: {  	[sflag:s21] =	ssyncset.done $0x0  }
0xa7: {  	s23 =	simm.s32 $0x1B8E;
	s22 =	sld [smem:$0x3FFE];
	[sflag:s21] =	ssyncadd.s32 $0xFFFFFFFF  }
0xa8: {  	s24 =	simm.s32 $execute0_lowered;
	[smem:$0x3FD2] =	sst s23  }
0xa9: {  	s4 =	sshll.u32 s24, $0x1;
	_ =	strace $0x8000004C;
	[dreg:$0x1] =	wrdreg $0xFFFFFFFF  }
0xaa: {  	s25 =	simm.s32 $_size_execute0_lowered;
	s2 =	sadd.s32 s2, s4;
	[dreg:$0x0] =	wrdreg $0x0  }
0xab: {  	s4 =	sshll.u32 s25, $0x1;
	[dreg:$0x2] =	wrdreg s2  }
0xac: {  	[dreg:$0x3] =	wrdreg s4  }
0xad: {  	[dreg:$0x4] =	wrdreg $0xC0  }
0xae: {  	_ =	task [dreg:s6], $0x5FFFF  }
0xaf: {  	[dreg:$0x1] =	wrdreg $0xFFFFFFFF  }
0xb0: {  	[dreg:$0x0] =	wrdreg $0x60  }
0xb1: {  	[dreg:$0x2] =	wrdreg s14  }
0xb2: {  	[dreg:$0x3] =	wrdreg s15  }
0xb3: {  	[dreg:$0x4] =	wrdreg s22  }
0xb4: {  	[dreg:$0x5] =	wrdreg $0x9  }
0xb5: {  	_ =	task.clear_ibuf [dreg:s6], $0x6FFFF;
	_ =	strace $0x9000004C  }
0xb6: {  	s26 =	simm.s32 $0x9;
	_ =	strace $0x8000004E  }
0xb7: {  	_ =	swait.ge [sflag:s26], $0x1  }
0xb8: {  	[sflag:s26] =	ssyncadd.s32 $0xFFFFFFFF  }
0xb9: {  	_ =	strace $0x9000004E  }
0xba: {  	_ =	sfence  }
0xbb: {  	s28 =	sld [smem:$0x0];
	_ =	sdelay $0x1  }
0xbc: {  	s29 =	srdreg.scid  }
0xbd: {  	s30 =	sshll.u32 s29, $0xD;
	s31 =	sshrl.u32 s29, $0x2  }
0xbe: {  	s1 =	sand.u32 $0x1, s29;
	s2 =	sand.u32 $0x4000, s30;
	s0 =	sadd.s32 s31, s28  }
0xbf: {  	s1 =	sor.u32 s2, s1;
	s0 =	sshll.u32 s0, $0x11  }
0xc0: {  	s0 =	sor.u32 s0, s1  }
0xc1: {  	s0 =	sadd.s32 $0x8F2B, s0  }
0xc2: {  	[sflag:s0] =	ssyncadd.remote.s32 $0x1  }
0xc3: {  	_ =	sfence.sel $0xFFFF  }
0xc4: {  	[dreg:$0x0] =	wrdreg $0xFFFFFFFF;
	(pc) =	sbr.abs _section_cstart, $3  }
0xc5: {  	[dreg:$0x1] =	wrdreg $0xFFFFFFFF  }
0xc6: {  	_ =	task.clear_ibuf [dreg:s6], $0x2FFFF;
	_ =	strace $0x9FFFFFFF  }
0xc7: {  	(tm) =	ssettm $0x7FFFFFFF  }
tec
execute0_lowered:
.L_overlay_start_1:
0x0: {  	(tag) =	ssettag $0x1  }
0x1: {  	s1 =	rddreg [dreg:$0x0]  }
0x2: {  	s3 =	rddreg [dreg:$0x1]  }
0x3: {  	s4 =	rddreg [dreg:$0x2]  }
0x4: {  	s0 =	rddreg [dreg:$0x3];
	s5 =	stileid.u32  }
0x5: {  	_ =	strace $0x8000004D;
	s6 =	simm.s32 $0x3E;
	p0 =	sne.s32 s5, $0x0  }
0x6: {  	[sflag:s6] =	ssyncpa.u1 $0x0;
	s7 =	simm.s32 @!p0 $0x1C3E;
	s2 =	simm.s32 @!p0 $0x0  }
0x7: {  	[spmem:s2], [sflag:s7] =	dma.local @!p0 [hbm:s1], $0x100  }
0x8: {  	s7 =	simm.s32 @!p0 $0x3E  }
0x9: {  	_ =	swait.ge @!p0 [sflag:s7], $0x100  }
0xa: {  	[sflag:s7] =	ssyncset.done @!p0 $0x0  }
0xb: {  	[sflag:s7] =	ssyncadd.s32 @!p0 $0xFFFFFF00  }
0xc: {  	s12 =	simm.s32 $0x1;
	[bflag:$0x0] =	sbarrier.arrive $0xFFFF  }
0xd: {  	s13 =	simm.s32 $0x2;
	s8 =	simm.s32 $0x0;
	[sflag:s6] =	ssyncpa.u1 $0x1  }
0xe: {  	s9 =	simm.s32 $0x100;
	s5 =	sshll.u32 s5, $0x4;
	[sflag:s12] =	ssyncpa.u1 $0x0  }
0xf: {  	s3 =	sadd.s32 s3, s5;
	(ifvalue) =	ssetifvalue $0x800;
	[sflag:s13] =	ssyncpa.u1 $0x0  }
0x10: {  	[tilespmem:s9], [sflag:$0x2] =	stream.linear.gather [hbm4b:s3+s8], $0x80, $0x38;
	[tilespmem:$0x280] =	vst v63  }
0x11: {  	s15 =	simm.s32 $0x200;
	s14 =	sadd.s32 s4, s5  }
0x12: {  	[tilespmem:s15], [sflag:$0x2] =	stream.linear.gather [hbm4b:s14+s8], $0x80, $0x38;
	[tilespmem:$0x280] =	vst v63  }
0x13: {  	_ =	swait.ge [sflag:s13], $0x100  }
0x14: {  	[sflag:s13] =	ssyncset.done $0x0  }
0x15: {  	[sflag:s13] =	ssyncadd.s32 $0xFFFFFF00  }
0x16: {  	v0 =	vld.msk [tilespmem:s9+$0x0 ss:$0x1], $0xffff;
	_ =	sdelay $0x4  }
0x17: {  	v0 =	vmin.u32 v0, $0x800;
	_ =	sdelay $0x3  }
0x18: {  	vm0 =	vmmov $0xffff;
	s16 =	simm.s32 $0x110  }
0x19: {  	[spmem:s8] =	stream.indirect_vreg.scatter.add.s32 [tilespmem:s15], [sflag:$0x1], $0x1, v0, vm0, $0x4038;
	[tilespmem:$0x280] =	vst v63  }
0x1a: {  	v0 =	vld.msk [tilespmem:s16+$0x0 ss:$0x1], $0xffff;
	_ =	sdelay $0x4  }
0x1b: {  	v0 =	vmin.u32 v0, $0x800;
	_ =	sdelay $0x3  }
0x1c: {  	s17 =	simm.s32 $0x210;
	s18 =	simm.s32 $0x120  }
0x1d: {  	[spmem:s8] =	stream.indirect_vreg.scatter.add.s32 [tilespmem:s17], [sflag:$0x1], $0x1, v0, vm0, $0x4038;
	[tilespmem:$0x280] =	vst v63  }
0x1e: {  	v0 =	vld.msk [tilespmem:s18+$0x0 ss:$0x1], $0xffff;
	_ =	sdelay $0x4  }
0x1f: {  	v0 =	vmin.u32 v0, $0x800;
	_ =	sdelay $0x3  }
0x20: {  	s19 =	simm.s32 $0x220;
	s20 =	simm.s32 $0x130  }
0x21: {  	[spmem:s8] =	stream.indirect_vreg.scatter.add.s32 [tilespmem:s19], [sflag:$0x1], $0x1, v0, vm0, $0x4038;
	[tilespmem:$0x280] =	vst v63  }
0x22: {  	v0 =	vld.msk [tilespmem:s20+$0x0 ss:$0x1], $0xffff;
	_ =	sdelay $0x4  }
0x23: {  	v0 =	vmin.u32 v0, $0x800;
	_ =	sdelay $0x3  }
0x24: {  	s21 =	simm.s32 $0x230;
	s22 =	simm.s32 $0x140  }
0x25: {  	[spmem:s8] =	stream.indirect_vreg.scatter.add.s32 [tilespmem:s21], [sflag:$0x1], $0x1, v0, vm0, $0x4038;
	[tilespmem:$0x280] =	vst v63  }
0x26: {  	v0 =	vld.msk [tilespmem:s22+$0x0 ss:$0x1], $0xffff;
	_ =	sdelay $0x4  }
0x27: {  	v0 =	vmin.u32 v0, $0x800;
	_ =	sdelay $0x3  }
0x28: {  	s23 =	simm.s32 $0x240;
	s24 =	simm.s32 $0x150  }
0x29: {  	[spmem:s8] =	stream.indirect_vreg.scatter.add.s32 [tilespmem:s23], [sflag:$0x1], $0x1, v0, vm0, $0x4038;
	[tilespmem:$0x280] =	vst v63  }
0x2a: {  	v0 =	vld.msk [tilespmem:s24+$0x0 ss:$0x1], $0xffff;
	_ =	sdelay $0x4  }
0x2b: {  	v0 =	vmin.u32 v0, $0x800;
	_ =	sdelay $0x3  }
0x2c: {  	s25 =	simm.s32 $0x250;
	s26 =	simm.s32 $0x160  }
0x2d: {  	[spmem:s8] =	stream.indirect_vreg.scatter.add.s32 [tilespmem:s25], [sflag:$0x1], $0x1, v0, vm0, $0x4038;
	[tilespmem:$0x280] =	vst v63  }
0x2e: {  	v0 =	vld.msk [tilespmem:s26+$0x0 ss:$0x1], $0xffff;
	_ =	sdelay $0x4  }
0x2f: {  	v0 =	vmin.u32 v0, $0x800;
	_ =	sdelay $0x3  }
0x30: {  	s28 =	simm.s32 $0x260;
	s29 =	simm.s32 $0x170  }
0x31: {  	[spmem:s8] =	stream.indirect_vreg.scatter.add.s32 [tilespmem:s28], [sflag:$0x1], $0x1, v0, vm0, $0x4038;
	[tilespmem:$0x280] =	vst v63  }
0x32: {  	v0 =	vld.msk [tilespmem:s29+$0x0 ss:$0x1], $0xffff;
	_ =	sdelay $0x4  }
0x33: {  	v0 =	vmin.u32 v0, $0x800;
	_ =	sdelay $0x3  }
0x34: {  	s30 =	simm.s32 $0x270  }
0x35: {  	[spmem:s8] =	stream.indirect_vreg.scatter.add.s32 [tilespmem:s30], [sflag:$0x1], $0x1, v0, vm0, $0x4038;
	[tilespmem:$0x280] =	vst v63  }
0x36: {  	_ =	swait.ge [sflag:s12], $0x80  }
0x37: {  	[sflag:s12] =	ssyncset.done $0x0  }
0x38: {  	[sflag:s12] =	ssyncadd.s32 $0xFFFFFF80  }
0x39: {  	_ =	sfence.sel $0x180000  }
0x3a: {  	[bflag:$0x0] =	sbarrier.arrive $0xFFFF  }
0x3b: {  	[sflag:s13] =	ssyncpa.u1 $0x1  }
0x3c: {  	[sflag:s12] =	ssyncpa.u1 $0x1  }
0x3d: {  	_ =	sfence.stream.spmem  }
0x3e: {  	s31 =	simm.s32 $0x3D;
	[bflag:$0x0] =	sbarrier.arrive $0xFFFF  }
0x3f: {  	s3 =	simm.s32 @p0 $0x3D;
	[sflag:s31] =	ssyncpa.u1 $0x0  }
0x40: {  	[sflag:s3] =	ssyncpa.u1 @p0 $0x1  }
0x41: {  	[bflag:$0x0] =	sbarrier.arrive @p0 $0xFFFF  }
0x42: {  	_ =	strace @p0 $0x9000004D  }
0x43: {  	s3 =	simm.s32 @!p0 $0x1C3D;
	[bflag:$0x2] =	sbarrier.arrive @p0 $0xFFFF  }
0x44: {  	[hbm:s1], [sflag:s3] =	dma.local @!p0 [spmem:s2], $0x100  }
0x45: {  	s1 =	simm.s32 @!p0 $0x3D  }
0x46: {  	_ =	swait.ge @!p0 [sflag:s1], $0x100  }
0x47: {  	[sflag:s1] =	ssyncset.done @!p0 $0x0  }
0x48: {  	[sflag:s1] =	ssyncadd.s32 @!p0 $0xFFFFFF00  }
0x49: {  	[sflag:s1] =	ssyncpa.u1 @!p0 $0x1  }
0x4a: {  	[bflag:$0x0] =	sbarrier.arrive @!p0 $0xFFFF  }
0x4b: {  	_ =	strace @!p0 $0x9000004D  }
0x4c: {  	s0 =	sadd.s32 @!p0 $0x100000, s0;
	[bflag:$0x2] =	sbarrier.arrive @!p0 $0xFFFF  }
0x4d: {  	[sflag:s0] =	ssyncadd.tile.s32 @!p0 $0x1;
	_ =	shalt  }
.Lfunc_end2:
_tile_overlayer_lowered:
.L_overlay_start_2:
0x4e: {  	(tag) =	ssettag $0x2  }
0x4f: {  	s0 =	rddreg [dreg:$0x0];
	s2 =	stileid.u32  }
0x50: {  	s1 =	rddreg [dreg:$0x1];
	p0 =	sne.s32 s2, $0x0  }
0x51: {  	s3 =	rddreg [dreg:$0x2];
	[bflag:$0x3] =	sbarrier.arrive $0xFFFF;
	s2 =	simm.s32 @!p0 $0x1C01  }
0x52: {  	[timem:s3], [sflag:s2] =	dma.local @!p0 [hbm:s0], s1  }
0x53: {  	s0 =	simm.s32 @!p0 $0x1  }
0x54: {  	_ =	swait.ge @!p0 [sflag:s0], s1  }
0x55: {  	s1 =	ssub.s32 @!p0 $0x0, s1;
	[sflag:s0] =	ssyncset.done @!p0 $0x0  }
0x56: {  	[sflag:s0] =	ssyncadd.s32 @!p0 s1  }
0x57: {  	[bflag:$0x3] =	sbarrier.arrive $0xFFFF  }
0x58: {  	_ =	shalt  }

// kernel: scatter_offload_async_start
scs
__scs_entry_jumppad:
0x0: {  	(pc) =	sbr.rel $0x88, $3  }
0x1: {  	(tag) =	ssettag $0x0;
	lr =	simm.s32 $0x1  }
0x2: {  	[smem:$0x3F8D] =	sst lr;
	_ =	strace $0xD0000000  }
0x3: {  	_ = 	snop  }
0x4: {  	_ = 	snop  }
0x5: {  	_ = 	snop  }
0x6: {  	_ = 	snop  }
0x7: {  	_ = 	snop  }
__scs_overlays_trampoline_lowered:
0x8: {  	[smem:$0x3F9C] =	sst s0  }
0x9: {  	[smem:$0x3F9D] =	sst s1  }
0xa: {  	[smem:$0x3F9E] =	sst s2  }
0xb: {  	[smem:$0x3F9F] =	sst s3  }
0xc: {  	[smem:$0x3FA0] =	sst s4  }
0xd: {  	[smem:$0x3FA1] =	sst s5  }
0xe: {  	[smem:$0x3FA2] =	sst s6  }
0xf: {  	[smem:$0x3FA3] =	sst s7  }
0x10: {  	[smem:$0x3FA4] =	sst s8  }
0x11: {  	[smem:$0x3FA5] =	sst s9;
	s0 =	simm.s32 @!p0 $0x0  }
0x12: {  	s1 =	sld [smem:$0x3F8B];
	s0 =	simm.s32 @p0 $0x1  }
0x13: {  	[smem:$0x3FA6] =	sst s0;
	s0 =	simm.s32 @!p1 $0x0  }
0x14: {  	s2 =	sld [smem:$0x3F8A];
	s0 =	simm.s32 @p1 $0x1  }
0x15: {  	[smem:$0x3FA7] =	sst s0;
	s0 =	simm.s32 @!p2 $0x0  }
0x16: {  	s3 =	sld [smem:$0x3FDB];
	s0 =	simm.s32 @p2 $0x1  }
0x17: {  	s4 =	simm.s32 $0x1BF5;
	[smem:$0x3FA9] =	sst s0  }
0x18: {  	s0 =	sld [smem:$0x3F8C];
	_ =	swait.ge [sflag:s4], $0x0  }
0x19: {  	s7 =	sld [smem:$0x3F8D]  }
0x1a: {  	s8 =	sadd.s32 $0xFFFFE003, lr  }
0x1b: {  	s9 =	sadd.s32 $0xFFFFFEF7, lr;
	s5 =	simm.s32 $0xFFFFFFFF;
	p2 =	slt.u32 s8, $0xFFFFF086  }
0x1c: {  	p1 =	slt.u32 s9, $0xF7A;
	s5 =	simm.s32 @!p2 $0x0  }
0x1d: {  	s5 =	simm.s32 @p1 $0x1;
	p0 =	seq.s32 s7, s2  }
0x1e: {  	s7 =	smul.u32 @!p0 $0xF7A, s2;
	p2 =	seq.s32 @!p0 s5, $0x0  }
0x1f: {  	s9 =	smul.u32 $0xF7A, s1;
	s8 =	simm.s32 @!p0 $0x1BF5;
	p2 =	por !p2, p0  }
0x20: {  	[sflag:s8] =	ssyncset.s32 @!p0 $0xFFFFF086;
	s6 =	sadd.s32 @!p0 s3, s7;
	s7 =	simm.s32 @!p0 $0x108  }
0x21: {  	s3 =	sadd.s32 s3, s9;
	s6 =	sadd.s32 @!p0 $0x88, s6;
	s7 =	simm.s32 @p2 $0x1082  }
0x22: {  	[simem:s7], [sflag:s8] =	dma.local @!p0 [hbm:s6], $0xF7A  }
0x23: {  	s9 =	sor.u32 $0xD0000000, s2;
	s6 =	simm.s32 $0x108;
	_ =	swait.ge @!p0 [sflag:s8], $0x0  }
0x24: {  	s3 =	sadd.s32 $0x88, s3;
	s6 =	simm.s32 @!p1 $0x1082;
	[sflag:s4] =	ssyncset.s32 $0xFFFFF086  }
0x25: {  	[simem:s6], [sflag:s4] =	dma.local [hbm:s3], $0xF7A  }
0x26: {  	[smem:$0x3F8D] =	sst s1;
	(tag) =	ssettag s2;
	_ =	strace s9  }
0x27: {  	s1 =	sld [smem:$0x3F9D]  }
0x28: {  	s2 =	sld [smem:$0x3F9E]  }
0x29: {  	s4 =	sld [smem:$0x3FA0]  }
0x2a: {  	p0 =	seq.s32 s5, $0x0;
	s5 =	sld [smem:$0x3FA1]  }
0x2b: {  	s6 =	sld [smem:$0x3FA2]  }
0x2c: {  	s7 =	sld [smem:$0x3FA3]  }
0x2d: {  	s3 =	simm.s32 $0x108;
	s8 =	sld [smem:$0x3FA4]  }
0x2e: {  	s3 =	simm.s32 @!p0 $0x1082;
	s9 =	sld [smem:$0x3FA5]  }
0x2f: {  	lr =	sadd.s32 s0, s3;
	s0 =	sld [smem:$0x3F9C]  }
0x30: {  	s3 =	sld [smem:$0x3F9F]  }
0x31: {  	[smem:$0x3FA8] =	sst s10  }
0x32: {  	s10 =	sld [smem:$0x3FA6];
	_ =	sdelay $0x3  }
0x33: {  	p0 =	seq.s32 s10, $0x1;
	s10 =	sld [smem:$0x3FA8];
	_ =	sdelay $0x3  }
0x34: {  	[smem:$0x3FA8] =	sst s10  }
0x35: {  	s10 =	sld [smem:$0x3FA7];
	_ =	sdelay $0x3  }
0x36: {  	p1 =	seq.s32 s10, $0x1;
	s10 =	sld [smem:$0x3FA8];
	_ =	sdelay $0x3  }
0x37: {  	[smem:$0x3FA8] =	sst s10  }
0x38: {  	s10 =	sld [smem:$0x3FA9]  }
0x39: {  	_ = 	snop;
	(pc) =	sbr.ind lr, $3  }
0x3a: {  	_ = 	snop  }
0x3b: {  	_ = 	snop  }
0x3c: {  	p2 =	seq.s32 s10, $0x1;
	s10 =	sld [smem:$0x3FA8]  }
0x3d: {  	_ =	shalt  }
0x3e: {  	_ =	shalt  }
0x3f: {  	_ =	shalt  }
0x40: {  	_ =	shalt  }
0x41: {  	_ =	shalt  }
0x42: {  	_ =	shalt  }
0x43: {  	_ =	shalt  }
0x44: {  	_ =	shalt  }
0x45: {  	_ =	shalt  }
0x46: {  	_ =	shalt  }
0x47: {  	_ =	shalt  }
0x48: {  	_ =	shalt  }
0x49: {  	_ =	shalt  }
0x4a: {  	_ =	shalt  }
0x4b: {  	_ =	shalt  }
0x4c: {  	_ =	shalt  }
0x4d: {  	_ =	shalt  }
0x4e: {  	_ =	shalt  }
0x4f: {  	_ =	shalt  }
0x50: {  	_ =	shalt  }
0x51: {  	_ =	shalt  }
0x52: {  	_ =	shalt  }
0x53: {  	_ =	shalt  }
0x54: {  	_ =	shalt  }
0x55: {  	_ =	shalt  }
0x56: {  	_ =	shalt  }
0x57: {  	_ =	shalt  }
0x58: {  	_ =	shalt  }
0x59: {  	_ =	shalt  }
0x5a: {  	_ =	shalt  }
0x5b: {  	_ =	shalt  }
0x5c: {  	_ =	shalt  }
0x5d: {  	_ =	shalt  }
0x5e: {  	_ =	shalt  }
0x5f: {  	_ =	shalt  }
0x60: {  	_ =	shalt  }
0x61: {  	_ =	shalt  }
0x62: {  	_ =	shalt  }
0x63: {  	_ =	shalt  }
0x64: {  	_ =	shalt  }
0x65: {  	_ =	shalt  }
0x66: {  	_ =	shalt  }
0x67: {  	_ =	shalt  }
0x68: {  	_ =	shalt  }
0x69: {  	_ =	shalt  }
0x6a: {  	_ =	shalt  }
0x6b: {  	_ =	shalt  }
0x6c: {  	_ =	shalt  }
0x6d: {  	_ =	shalt  }
0x6e: {  	_ =	shalt  }
0x6f: {  	_ =	shalt  }
0x70: {  	_ =	shalt  }
0x71: {  	_ =	shalt  }
0x72: {  	_ =	shalt  }
0x73: {  	_ =	shalt  }
0x74: {  	_ =	shalt  }
0x75: {  	_ =	shalt  }
0x76: {  	_ =	shalt  }
0x77: {  	_ =	shalt  }
0x78: {  	_ =	shalt  }
0x79: {  	_ =	shalt  }
0x7a: {  	_ =	shalt  }
0x7b: {  	_ =	shalt  }
0x7c: {  	_ =	shalt  }
0x7d: {  	_ =	shalt  }
0x7e: {  	_ =	shalt  }
0x7f: {  	_ =	shalt  }
0x80: {  	_ =	shalt  }
0x81: {  	_ =	shalt  }
0x82: {  	_ =	shalt  }
0x83: {  	_ =	shalt  }
0x84: {  	_ =	shalt  }
0x85: {  	_ =	shalt  }
0x86: {  	_ =	shalt  }
0x87: {  	_ =	shalt  }
.Lfunc_end0:
.L_simem_size_0:
called_computation_lowered:
.L_overlay_start_0:
0x88: {  	s0 =	sld [smem:$0x3FD9]  }
0x89: {  	s1 =	sld [smem:$0x3FFE];
	_ =	sdelay $0x3  }
0x8a: {  	s0 =	sadd.s32 s1, s0  }
0x8b: {  	[smem:$0x3FB4] =	sst s0  }
0x8c: {  	_ = 	snop  }
0x8d: {  	s0 =	sld [smem:$0x3FD0];
	_ =	sdelay $0x2  }
0x8e: {  	s12 =	simm.s32 $0xB;
	s2 =	simm.s32 $0x10  }
0x8f: {  	[smem:s2], [sflag:s12] =	dma.local [hbm:s0], $0x1  }
0x90: {  	_ =	swait.eq [sflag:s12], $0x1  }
0x91: {  	[sflag:s12] =	ssyncset.done $0x0  }
0x92: {  	s13 =	sld [smem:$0x10];
	[sflag:s12] =	ssyncadd.s32 $0xFFFFFFFF  }
0x93: {  	s14 =	sld [smem:$0x11];
	(tm) =	ssettm $0x1  }
0x94: {  	s15 =	sld [smem:$0x3FFB];
	_ =	sdelay $0x3  }
0x95: {  	_ =	strace s15  }
0x96: {  	s0 =	sld [smem:$0x3FFC];
	_ =	sdelay $0x3  }
0x97: {  	_ =	strace s0  }
0x98: {  	s0 =	sld [smem:$0x3FFD];
	_ =	sdelay $0x3  }
0x99: {  	_ =	strace s0  }
0x9a: {  	_ =	strace $0x8FFFFFFF  }
0x9b: {  	s16 =	sld [smem:$0x3FDB];
	_ =	sdelay $0x1  }
0x9c: {  	s3 =	simm.s32 $_scs_section_size  }
0x9d: {  	s4 =	simm.s32 $_size__tile_overlayer_lowered;
	s5 =	simm.s32 $_tile_overlayer_lowered  }
0x9e: {  	s6 =	simm.s32 $0x1BFF;
	s17 =	sshll.u32 s5, $0x1;
	s3 =	sadd.s32 s3, s16  }
0x9f: {  	s18 =	simm.s32 $0x0;
	s4 =	sshll.u32 s4, $0x1;
	s5 =	sadd.s32 s17, s3  }
0xa0: {  	[timem:s18], [sflag:s6] =	dma.local [hbm:s5], s4  }
0xa1: {  	_ =	swait.ge [sflag:s6], s4  }
0xa2: {  	s4 =	ssub.s32 $0x0, s4;
	[sflag:s6] =	ssyncset.done $0x0  }
0xa3: {  	[sflag:s6] =	ssyncadd.s32 s4;
	_ =	sdelay $0x1  }
0xa4: {  	s19 =	simm.s32 $0x1B8B  }
0xa5: {  	_ =	swait.ge [sflag:s19], $0x1  }
0xa6: {  	[sflag:s19] =	ssyncset.done $0x0  }
0xa7: {  	s21 =	simm.s32 $0x1B8E;
	s20 =	sld [smem:$0x3FFE];
	[sflag:s19] =	ssyncadd.s32 $0xFFFFFFFF  }
0xa8: {  	s22 =	simm.s32 $execute0_lowered;
	[smem:$0x3FD2] =	sst s21  }
0xa9: {  	s5 =	sshll.u32 s22, $0x1;
	_ =	strace $0x80000046;
	[dreg:$0x1] =	wrdreg $0xFFFFFFFF  }
0xaa: {  	s23 =	simm.s32 $_size_execute0_lowered;
	s5 =	sadd.s32 s3, s5;
	[dreg:$0x0] =	wrdreg $0x0  }
0xab: {  	s6 =	sshll.u32 s23, $0x1;
	[dreg:$0x2] =	wrdreg s5  }
0xac: {  	[dreg:$0x3] =	wrdreg s6  }
0xad: {  	[dreg:$0x4] =	wrdreg $0xC0  }
0xae: {  	s24 =	simm.s32 $execute1_lowered;
	_ =	task [dreg:s18], $0x5FFFF  }
0xaf: {  	s5 =	sshll.u32 s24, $0x1;
	[dreg:$0x1] =	wrdreg $0xFFFFFFFF  }
0xb0: {  	s3 =	sadd.s32 s3, s5;
	[dreg:$0x0] =	wrdreg $0x60  }
0xb1: {  	[dreg:$0x2] =	wrdreg s3  }
0xb2: {  	[dreg:$0x3] =	wrdreg s13  }
0xb3: {  	[dreg:$0x4] =	wrdreg s20  }
0xb4: {  	[dreg:$0x5] =	wrdreg $0x9  }
0xb5: {  	_ =	task.clear_ibuf [dreg:s18], $0x6FFFF;
	_ =	strace $0x90000046  }
0xb6: {  	s25 =	simm.s32 $0x9;
	_ =	strace $0x80000048  }
0xb7: {  	_ =	swait.ge [sflag:s25], $0x1  }
0xb8: {  	[sflag:s25] =	ssyncadd.s32 $0xFFFFFFFF  }
0xb9: {  	_ =	strace $0x90000048  }
0xba: {  	_ =	strace $0x80000049;
	[dreg:$0x1] =	wrdreg $0xFFFFFFFF  }
0xbb: {  	[dreg:$0x0] =	wrdreg $0x2030  }
0xbc: {  	[dreg:$0x2] =	wrdreg s20  }
0xbd: {  	[dreg:$0x3] =	wrdreg s14  }
0xbe: {  	[dreg:$0x4] =	wrdreg $0xA  }
0xbf: {  	_ =	task.clear_ibuf [dreg:s18], $0x5FFFF;
	_ =	strace $0x90000049  }
0xc0: {  	s26 =	simm.s32 $0xA;
	_ =	strace $0x8000004B  }
0xc1: {  	_ =	swait.ge [sflag:s26], $0x1  }
0xc2: {  	[sflag:s26] =	ssyncadd.s32 $0xFFFFFFFF  }
0xc3: {  	_ =	strace $0x9000004B  }
0xc4: {  	_ =	sfence  }
0xc5: {  	s28 =	sld [smem:$0x0];
	_ =	sdelay $0x1  }
0xc6: {  	s29 =	srdreg.scid  }
0xc7: {  	s30 =	sshll.u32 s29, $0xD;
	s31 =	sshrl.u32 s29, $0x2  }
0xc8: {  	s2 =	sand.u32 $0x1, s29;
	s3 =	sand.u32 $0x4000, s30;
	s1 =	sadd.s32 s31, s28  }
0xc9: {  	s2 =	sor.u32 s3, s2;
	s1 =	sshll.u32 s1, $0x11  }
0xca: {  	s1 =	sor.u32 s1, s2  }
0xcb: {  	s1 =	sadd.s32 $0x8F2B, s1  }
0xcc: {  	[sflag:s1] =	ssyncadd.remote.s32 $0x1  }
0xcd: {  	_ =	sfence.sel $0xFFFF  }
0xce: {  	[dreg:$0x0] =	wrdreg $0xFFFFFFFF;
	(pc) =	sbr.abs _section_cstart, $3  }
0xcf: {  	[dreg:$0x1] =	wrdreg $0xFFFFFFFF  }
0xd0: {  	_ =	task.clear_ibuf [dreg:s18], $0x2FFFF;
	_ =	strace $0x9FFFFFFF  }
0xd1: {  	(tm) =	ssettm $0x7FFFFFFF  }
tec
execute0_lowered:
.L_overlay_start_1:
0x0: {  	(tag) =	ssettag $0x1  }
0x1: {  	s2 =	rddreg [dreg:$0x0]  }
0x2: {  	s7 =	rddreg [dreg:$0x1]  }
0x3: {  	s10 =	rddreg [dreg:$0x2]  }
0x4: {  	s0 =	rddreg [dreg:$0x3];
	s4 =	stileid.u32  }
0x5: {  	[bflag:$0x3] =	sbarrier.arrive $0xFFFF;
	s1 =	simm.s32 $_size_execute1_lowered;
	p0 =	sne.s32 s4, $0x0  }
0x6: {  	s1 =	sshll.u32 s1, $0x1;
	s3 =	simm.s32 @!p0 $0x1C3F;
	s5 =	simm.s32 @!p0 $0x4060  }
0x7: {  	[timem:s5], [sflag:s3] =	dma.local @!p0 [hbm:s2], s1  }
0x8: {  	s5 =	sshll.u32 s4, $0x7  }
0x9: {  	s6 =	ssub.s32 $0x800, s5  }
0xa: {  	s30 =	sand.u32 $0x780, s6  }
0xb: {  	s8 =	simm.s32 $0x1;
	p1 =	sne.s32 s30, $0x0  }
0xc: {  	s31 =	sshll.u32 s4, $0x4;
	s6 =	sshrl.u32 s6, $0xB;
	s8 =	simm.s32 @!p1 $0x0  }
0xd: {  	s2 =	simm.s32 $0x1;
	s3 =	simm.s32 $0x2;
	s6 =	sadd.s32 s8, s6  }
0xe: {  	s4 =	simm.s32 $0x0;
	_ =	strace $0x80000047;
	p3 =	sle.u32 s6, $0x0  }
0xf: {  	[sflag:s2] =	ssyncpa.u1 $0x0;
	s8 =	sadd.s32 s31, s7;
	s7 =	sxor.u32 @!p3 $0xFFFFFFFF, s4  }
0x10: {  	[sflag:s3] =	ssyncpa.u1 $0x0;
	s9 =	simm.s32 @!p3 $0x0;
	s7 =	sand.u32 @!p3 $0x80, s7  }
0x11: {  	[tilespmem:s7], [sflag:$0x1] =	stream.linear.gather @!p3 [hbm4b:s8+s9], $0x80, $0x38;
	[tilespmem:$0x200] =	vst v63  }
0x12: {  	p2 =	sle.u32 s6, $0xFFFFFFFF;
	s9 =	sadd.s32 $0x1, s6  }
0x13: {  	p1 =	por p2, p2;
	p3 =	sne.s32 s9, $0x0  }
.Ltmp0:
0x14: {  	s13 =	simm.s32 @!p1 $0x1;
	(pc) =	sbr.rel @!p3 .LBB2_2-.Ltmp0, $4  }
0x15: {  	_ =	swait.ge @!p1 [sflag:s13], $0x80  }
0x16: {  	s11 =	simm.s32 $0x1;
	[sflag:s13] =	ssyncset.done @!p1 $0x0  }
0x17: {  	s10 =	sadd.s32 $0x200, s10;
	s12 =	sand.u32 @!p1 $0x80, s4;
	[sflag:s13] =	ssyncadd.s32 @!p1 $0xFFFFFF80  }
0x18: {  	s14 =	simm.s32 $0x0;
	s7 =	sadd.s32 @!p2 $0x0, s10;
	s13 =	sor.u32 @!p1 $0x100, s12;
	v0 =	vld @!p1 [tilespmem:s12+$0x50]  }
.LBB2_1:
0x19: {  	p2 =	sne.s32 s11, s9  }
0x1a: {  	v1 =	vld @!p1 [tilespmem:s12+$0x30];
	s14 =	sadd.s32 $0x80, s14;
	s15 =	smov.u32 s11;
	s11 =	sadd.s32 $0x1, s11  }
0x1b: {  	v2 =	vld @!p1 [tilespmem:s12+$0x70]  }
0x1c: {  	v3 =	vld @!p1 [tilespmem:s12+$0x60]  }
0x1d: {  	v4 =	vld @!p1 [tilespmem:s12+$0x10]  }
0x1e: {  	v5 =	vld @!p1 [tilespmem:s12+$0x0];
	[tilespmem:s12+$0x150] =	vst @!p1 v0  }
0x1f: {  	p3 =	sge.u32 s15, s6;
	[tilespmem:s12+$0x130] =	vst @!p1 v1;
	v0 =	vld @!p1 [tilespmem:s12+$0x40]  }
0x20: {  	s17 =	sadd.s32 $0xFFFFFFFF, s15;
	s16 =	sxor.u32 @!p3 $0xFFFFFFFF, s14;
	v1 =	vld @!p1 [tilespmem:s12+$0x20];
	[tilespmem:s12+$0x170] =	vst @!p1 v2  }
0x21: {  	p4 =	sge.u32 s17, s6;
	s16 =	sand.u32 @!p3 $0x80, s16;
	[tilespmem:s12+$0x160] =	vst @!p1 v3  }
0x22: {  	s17 =	sshrl.u32 @!p4 s5, $0x3;
	[tilespmem:s12+$0x110] =	vst @!p1 v4  }
0x23: {  	s17 =	sadd.s32 @!p4 s10, s17;
	[tilespmem:s12+$0x100] =	vst @!p1 v5  }
0x24: {  	s18 =	simm.s32 @!p1 $0x0;
	p5 =	slt.u32 s4, $0x2;
	s4 =	smov.u32 s15;
	[tilespmem:s12+$0x140] =	vst @!p1 v0  }
0x25: {  	[tilespmem:s12+$0x120] =	vst @!p1 v1;
	s12 =	simm.s32 @!p5 $0x2  }
0x26: {  	[hbm4b:s7+s18] =	stream.linear.scatter @!p1 [tilespmem:s13], [sflag:$0x2], $0x80, $0x38;
	[tilespmem:$0x200] =	vst v63  }
0x27: {  	s13 =	simm.s32 @!p3 $0x0;
	s7 =	smov.u32 s17;
	_ =	swait.ge @!p5 [sflag:s12], $0x80  }
0x28: {  	p1 =	por p4, p4;
	[sflag:s12] =	ssyncset.done @!p5 $0x0  }
0x29: {  	s15 =	simm.s32 @!p1 $0x1;
	[sflag:s12] =	ssyncadd.s32 @!p5 $0xFFFFFF80  }
0x2a: {  	[tilespmem:s16], [sflag:$0x1] =	stream.linear.gather @!p3 [hbm4b:s8+s13], $0x80, $0x38;
	[tilespmem:$0x200] =	vst v63  }
.Ltmp1:
0x2b: {  	_ = 	snop;
	(pc) =	sbr.rel @p2 .LBB2_1-.Ltmp1, $4  }
0x2c: {  	_ =	swait.ge @!p1 [sflag:s15], $0x80  }
0x2d: {  	s12 =	sand.u32 @!p1 $0x80, s14;
	[sflag:s15] =	ssyncset.done @!p1 $0x0  }
0x2e: {  	s13 =	sor.u32 @!p1 $0x100, s12;
	[sflag:s15] =	ssyncadd.s32 @!p1 $0xFFFFFF80  }
0x2f: {  	v0 =	vld @!p1 [tilespmem:s12+$0x50]  }
.LBB2_2:
0x30: {  	v1 =	vld @!p1 [tilespmem:s12+$0x30]  }
0x31: {  	v2 =	vld @!p1 [tilespmem:s12+$0x70]  }
0x32: {  	v3 =	vld @!p1 [tilespmem:s12+$0x60]  }
0x33: {  	v4 =	vld @!p1 [tilespmem:s12+$0x10]  }
0x34: {  	v5 =	vld @!p1 [tilespmem:s12+$0x0];
	[tilespmem:s12+$0x150] =	vst @!p1 v0  }
0x35: {  	v0 =	vld @!p1 [tilespmem:s12+$0x40];
	[tilespmem:s12+$0x130] =	vst @!p1 v1  }
0x36: {  	v1 =	vld @!p1 [tilespmem:s12+$0x20];
	[tilespmem:s12+$0x170] =	vst @!p1 v2  }
0x37: {  	[tilespmem:s12+$0x160] =	vst @!p1 v3  }
0x38: {  	[tilespmem:s12+$0x110] =	vst @!p1 v4  }
0x39: {  	[tilespmem:s12+$0x100] =	vst @!p1 v5  }
0x3a: {  	p2 =	slt.u32 s4, $0x2;
	[tilespmem:s12+$0x140] =	vst @!p1 v0  }
0x3b: {  	s4 =	simm.s32 @!p1 $0x0;
	s5 =	simm.s32 @!p2 $0x2;
	[tilespmem:s12+$0x120] =	vst @!p1 v1  }
0x3c: {  	[hbm4b:s7+s4] =	stream.linear.scatter @!p1 [tilespmem:s13], [sflag:$0x2], $0x80, $0x38;
	[tilespmem:$0x200] =	vst v63  }
0x3d: {  	_ =	swait.ge @!p2 [sflag:s5], $0x80  }
0x3e: {  	[sflag:s5] =	ssyncset.done @!p2 $0x0  }
0x3f: {  	[sflag:s5] =	ssyncadd.s32 @!p2 $0xFFFFFF80  }
0x40: {  	_ =	sfence.sel $0x180000  }
0x41: {  	[bflag:$0x0] =	sbarrier.arrive $0xFFFF  }
0x42: {  	[sflag:s2] =	ssyncpa.u1 $0x1  }
0x43: {  	[sflag:s3] =	ssyncpa.u1 $0x1  }
0x44: {  	_ =	strace $0x90000047  }
0x45: {  	s0 =	sadd.s32 @!p0 $0x100000, s0;
	[bflag:$0x2] =	sbarrier.arrive $0xFFFF  }
0x46: {  	[sflag:s0] =	ssyncadd.tile.s32 @!p0 $0x1;
	s0 =	simm.s32 @!p0 $0x3F  }
0x47: {  	_ =	swait.ge @!p0 [sflag:s0], s1  }
0x48: {  	s1 =	ssub.s32 @!p0 $0x0, s1;
	[sflag:s0] =	ssyncset.done @!p0 $0x0  }
0x49: {  	[sflag:s0] =	ssyncadd.s32 @!p0 s1  }
0x4a: {  	[bflag:$0x3] =	sbarrier.arrive $0xFFFF  }
0x4b: {  	_ =	shalt  }
.Lfunc_end2:
execute1_lowered:
.L_overlay_start_2:
0x4c: {  	(tag) =	ssettag $0x2  }
0x4d: {  	s3 =	rddreg [dreg:$0x0]  }
0x4e: {  	s4 =	rddreg [dreg:$0x1]  }
0x4f: {  	s0 =	rddreg [dreg:$0x2];
	_ =	strace $0x8000004A;
	s5 =	stileid.u32  }
0x50: {  	s6 =	simm.s32 $0x3E;
	s1 =	sadd.s32 $0x200, s3;
	p0 =	sne.s32 s5, $0x0  }
0x51: {  	[sflag:s6] =	ssyncpa.u1 $0x0;
	s7 =	simm.s32 @!p0 $0x1C3E;
	s2 =	simm.s32 @!p0 $0x0  }
0x52: {  	[spmem:s2], [sflag:s7] =	dma.local @!p0 [hbm:s1], $0x100  }
0x53: {  	s7 =	simm.s32 @!p0 $0x3E  }
0x54: {  	_ =	swait.ge @!p0 [sflag:s7], $0x100  }
0x55: {  	[sflag:s7] =	ssyncset.done @!p0 $0x0  }
0x56: {  	[sflag:s7] =	ssyncadd.s32 @!p0 $0xFFFFFF00  }
0x57: {  	s13 =	simm.s32 $0x1;
	[bflag:$0x0] =	sbarrier.arrive $0xFFFF  }
0x58: {  	s14 =	simm.s32 $0x2;
	s8 =	simm.s32 $0x0;
	[sflag:s6] =	ssyncpa.u1 $0x1  }
0x59: {  	s9 =	simm.s32 $0x100;
	s5 =	sshll.u32 s5, $0x4;
	[sflag:s13] =	ssyncpa.u1 $0x0  }
0x5a: {  	s4 =	sadd.s32 s4, s5;
	(ifvalue) =	ssetifvalue $0x800;
	[sflag:s14] =	ssyncpa.u1 $0x0  }
0x5b: {  	[tilespmem:s9], [sflag:$0x2] =	stream.linear.gather [hbm4b:s4+s8], $0x80, $0x38;
	[tilespmem:$0x280] =	vst v63  }
0x5c: {  	s15 =	simm.s32 $0x200;
	s3 =	sadd.s32 s3, s5  }
0x5d: {  	[tilespmem:s15], [sflag:$0x2] =	stream.linear.gather [hbm4b:s3+s8], $0x80, $0x38;
	[tilespmem:$0x280] =	vst v63  }
0x5e: {  	_ =	swait.ge [sflag:s14], $0x100  }
0x5f: {  	[sflag:s14] =	ssyncset.done $0x0  }
0x60: {  	[sflag:s14] =	ssyncadd.s32 $0xFFFFFF00  }
0x61: {  	v0 =	vld.msk [tilespmem:s9+$0x0 ss:$0x1], $0xffff;
	_ =	sdelay $0x4  }
0x62: {  	v0 =	vmin.u32 v0, $0x800;
	_ =	sdelay $0x3  }
0x63: {  	vm0 =	vmmov $0xffff;
	s16 =	simm.s32 $0x110  }
0x64: {  	[spmem:s8] =	stream.indirect_vreg.scatter.add.s32 [tilespmem:s15], [sflag:$0x1], $0x1, v0, vm0, $0x4038;
	[tilespmem:$0x280] =	vst v63  }
0x65: {  	v0 =	vld.msk [tilespmem:s16+$0x0 ss:$0x1], $0xffff;
	_ =	sdelay $0x4  }
0x66: {  	v0 =	vmin.u32 v0, $0x800;
	_ =	sdelay $0x3  }
0x67: {  	s17 =	simm.s32 $0x210;
	s18 =	simm.s32 $0x120  }
0x68: {  	[spmem:s8] =	stream.indirect_vreg.scatter.add.s32 [tilespmem:s17], [sflag:$0x1], $0x1, v0, vm0, $0x4038;
	[tilespmem:$0x280] =	vst v63  }
0x69: {  	v0 =	vld.msk [tilespmem:s18+$0x0 ss:$0x1], $0xffff;
	_ =	sdelay $0x4  }
0x6a: {  	v0 =	vmin.u32 v0, $0x800;
	_ =	sdelay $0x3  }
0x6b: {  	s19 =	simm.s32 $0x220;
	s20 =	simm.s32 $0x130  }
0x6c: {  	[spmem:s8] =	stream.indirect_vreg.scatter.add.s32 [tilespmem:s19], [sflag:$0x1], $0x1, v0, vm0, $0x4038;
	[tilespmem:$0x280] =	vst v63  }
0x6d: {  	v0 =	vld.msk [tilespmem:s20+$0x0 ss:$0x1], $0xffff;
	_ =	sdelay $0x4  }
0x6e: {  	v0 =	vmin.u32 v0, $0x800;
	_ =	sdelay $0x3  }
0x6f: {  	s21 =	simm.s32 $0x230;
	s22 =	simm.s32 $0x140  }
0x70: {  	[spmem:s8] =	stream.indirect_vreg.scatter.add.s32 [tilespmem:s21], [sflag:$0x1], $0x1, v0, vm0, $0x4038;
	[tilespmem:$0x280] =	vst v63  }
0x71: {  	v0 =	vld.msk [tilespmem:s22+$0x0 ss:$0x1], $0xffff;
	_ =	sdelay $0x4  }
0x72: {  	v0 =	vmin.u32 v0, $0x800;
	_ =	sdelay $0x3  }
0x73: {  	s23 =	simm.s32 $0x240;
	s24 =	simm.s32 $0x150  }
0x74: {  	[spmem:s8] =	stream.indirect_vreg.scatter.add.s32 [tilespmem:s23], [sflag:$0x1], $0x1, v0, vm0, $0x4038;
	[tilespmem:$0x280] =	vst v63  }
0x75: {  	v0 =	vld.msk [tilespmem:s24+$0x0 ss:$0x1], $0xffff;
	_ =	sdelay $0x4  }
0x76: {  	v0 =	vmin.u32 v0, $0x800;
	_ =	sdelay $0x3  }
0x77: {  	s25 =	simm.s32 $0x250;
	s26 =	simm.s32 $0x160  }
0x78: {  	[spmem:s8] =	stream.indirect_vreg.scatter.add.s32 [tilespmem:s25], [sflag:$0x1], $0x1, v0, vm0, $0x4038;
	[tilespmem:$0x280] =	vst v63  }
0x79: {  	v0 =	vld.msk [tilespmem:s26+$0x0 ss:$0x1], $0xffff;
	_ =	sdelay $0x4  }
0x7a: {  	v0 =	vmin.u32 v0, $0x800;
	_ =	sdelay $0x3  }
0x7b: {  	s28 =	simm.s32 $0x260;
	s29 =	simm.s32 $0x170  }
0x7c: {  	[spmem:s8] =	stream.indirect_vreg.scatter.add.s32 [tilespmem:s28], [sflag:$0x1], $0x1, v0, vm0, $0x4038;
	[tilespmem:$0x280] =	vst v63  }
0x7d: {  	v0 =	vld.msk [tilespmem:s29+$0x0 ss:$0x1], $0xffff;
	_ =	sdelay $0x4  }
0x7e: {  	v0 =	vmin.u32 v0, $0x800;
	_ =	sdelay $0x3  }
0x7f: {  	s30 =	simm.s32 $0x270  }
0x80: {  	[spmem:s8] =	stream.indirect_vreg.scatter.add.s32 [tilespmem:s30], [sflag:$0x1], $0x1, v0, vm0, $0x4038;
	[tilespmem:$0x280] =	vst v63  }
0x81: {  	_ =	swait.ge [sflag:s13], $0x80  }
0x82: {  	[sflag:s13] =	ssyncset.done $0x0  }
0x83: {  	[sflag:s13] =	ssyncadd.s32 $0xFFFFFF80  }
0x84: {  	_ =	sfence.sel $0x180000  }
0x85: {  	[bflag:$0x0] =	sbarrier.arrive $0xFFFF  }
0x86: {  	[sflag:s14] =	ssyncpa.u1 $0x1  }
0x87: {  	[sflag:s13] =	ssyncpa.u1 $0x1  }
0x88: {  	_ =	sfence.stream.spmem  }
0x89: {  	s31 =	simm.s32 $0x3D;
	[bflag:$0x0] =	sbarrier.arrive $0xFFFF  }
0x8a: {  	s3 =	simm.s32 @p0 $0x3D;
	[sflag:s31] =	ssyncpa.u1 $0x0  }
0x8b: {  	[sflag:s3] =	ssyncpa.u1 @p0 $0x1  }
0x8c: {  	[bflag:$0x0] =	sbarrier.arrive @p0 $0xFFFF  }
0x8d: {  	_ =	strace @p0 $0x9000004A  }
0x8e: {  	s3 =	simm.s32 @!p0 $0x1C3D;
	[bflag:$0x2] =	sbarrier.arrive @p0 $0xFFFF  }
0x8f: {  	[hbm:s1], [sflag:s3] =	dma.local @!p0 [spmem:s2], $0x100  }
0x90: {  	s1 =	simm.s32 @!p0 $0x3D  }
0x91: {  	_ =	swait.ge @!p0 [sflag:s1], $0x100  }
0x92: {  	[sflag:s1] =	ssyncset.done @!p0 $0x0  }
0x93: {  	[sflag:s1] =	ssyncadd.s32 @!p0 $0xFFFFFF00  }
0x94: {  	[sflag:s1] =	ssyncpa.u1 @!p0 $0x1  }
0x95: {  	[bflag:$0x0] =	sbarrier.arrive @!p0 $0xFFFF  }
0x96: {  	_ =	strace @!p0 $0x9000004A  }
0x97: {  	s0 =	sadd.s32 @!p0 $0x100000, s0;
	[bflag:$0x2] =	sbarrier.arrive @!p0 $0xFFFF  }
0x98: {  	[sflag:s0] =	ssyncadd.tile.s32 @!p0 $0x1;
	_ =	shalt  }
.Lfunc_end3:
_tile_overlayer_lowered:
.L_overlay_start_3:
0x99: {  	(tag) =	ssettag $0x3  }
0x9a: {  	s0 =	rddreg [dreg:$0x0];
	s2 =	stileid.u32  }
0x9b: {  	s1 =	rddreg [dreg:$0x1];
	p0 =	sne.s32 s2, $0x0  }
0x9c: {  	s3 =	rddreg [dreg:$0x2];
	[bflag:$0x3] =	sbarrier.arrive $0xFFFF;
	s2 =	simm.s32 @!p0 $0x1C01  }
0x9d: {  	[timem:s3], [sflag:s2] =	dma.local @!p0 [hbm:s0], s1  }
0x9e: {  	s0 =	simm.s32 @!p0 $0x1  }
0x9f: {  	_ =	swait.ge @!p0 [sflag:s0], s1  }
0xa0: {  	s1 =	ssub.s32 @!p0 $0x0, s1;
	[sflag:s0] =	ssyncset.done @!p0 $0x0  }
0xa1: {  	[sflag:s0] =	ssyncadd.s32 @!p0 s1  }
0xa2: {  	[bflag:$0x3] =	sbarrier.arrive $0xFFFF  }
0xa3: {  	_ =	shalt  }

</sc_bundles>
